<compile_context>
chip_gen: v7x
topology: tpu7x:2x2x1
jax: 0.10.2.dev20260603
libtpu: 0.0.44.dev20260713+nightly
codegen_flags: <defaults>
</compile_context>

<pallas_src>
import functools

import jax
import jax.numpy as jnp
from jax import lax
from jax.experimental import pallas as pl
from jax.experimental.pallas import tpu as pltpu
from jax.experimental.pallas import tpu_sc as plsc

B = 1; T = 2048; D = 1024; H = 16; KV = 8; HD = 64; L = 2; E = 8; TOPK = 2
FF = 2048; V = 32000; EPS = 1e-5; THETA = 1e6

TB = 256
NTB = T // TB
QH = 4
VB = 1280
NVB = V // VB
A = T * TOPK
EB = 256
NEB = A // EB + E
AP = NEB * EB



def _sc_gather(table, idx):
    info = plsc.get_sparse_core_info()
    nc, ns = info.num_cores, info.num_subcores
    nw = nc * ns
    b, d = idx.shape[0], table.shape[1]
    b_per_w = b // nw
    row_bytes = d * table.dtype.itemsize
    nbuf = 2
    max_ch = (460 * 1024) // (nbuf * row_bytes)
    ch = b_per_w
    for cand in (96, 64, 48, 32, 24, 16, 8):
        if cand <= max_ch and b_per_w % cand == 0:
            ch = cand
            break
    n_ch = b_per_w // ch
    nbuf = min(nbuf, n_ch)
    mesh = plsc.VectorSubcoreMesh(core_axis_name="c", subcore_axis_name="s")

    @functools.partial(
        pl.kernel, mesh=mesh,
        out_type=jax.ShapeDtypeStruct((b, d), table.dtype),
        scratch_types=[
            pltpu.VMEM((n_ch, ch), jnp.int32),
            pltpu.VMEM((nbuf, ch, d), table.dtype),
            pltpu.SemaphoreType.DMA,
        ],
    )
    def k(table_hbm, idx_hbm, out_hbm, idx_v, rows_v, sem):
        wid = lax.axis_index("s") * nc + lax.axis_index("c")
        base = wid * b_per_w
        for c in range(n_ch):
            pltpu.sync_copy(idx_hbm.at[pl.ds(base + c * ch, ch)],
                            idx_v.at[c])
        cps = [None] * n_ch
        for c in range(nbuf):
            cps[c] = pltpu.async_copy(table_hbm.at[idx_v.at[c]],
                                      rows_v.at[c % nbuf], sem)
        for c in range(n_ch):
            cps[c].wait()
            pltpu.sync_copy(rows_v.at[c % nbuf],
                            out_hbm.at[pl.ds(base + c * ch, ch)])
            if c + nbuf < n_ch:
                cps[c + nbuf] = pltpu.async_copy(
                    table_hbm.at[idx_v.at[c + nbuf]],
                    rows_v.at[(c + nbuf) % nbuf], sem)

    return k(table, idx)



def _rms_rows(x, w):
    v = jnp.mean(x * x, axis=-1, keepdims=True)
    return x * lax.rsqrt(v + EPS) * w


def _qkv_body(x_ref, ln_ref, wq_ref, wk_ref, wv_ref, q_ref, k_ref, v_ref):
    h = _rms_rows(x_ref[...], ln_ref[0])
    q_ref[...] = jnp.dot(h, wq_ref[0], preferred_element_type=jnp.float32)
    k_ref[...] = jnp.dot(h, wk_ref[0], preferred_element_type=jnp.float32)
    v_ref[...] = jnp.dot(h, wv_ref[0], preferred_element_type=jnp.float32)


def _rope(x, cos, sin):
    h = HD // 2
    rot = jnp.concatenate([-x[:, h:], x[:, :h]], axis=1)
    return x * cos + rot * sin


def _attn_body(q_ref, k_ref, v_ref, cq_ref, sq_ref, ck_ref, sk_ref, o_ref):
    qi = pl.program_id(1)
    row = qi * TB + lax.broadcasted_iota(jnp.int32, (TB, T), 0)
    col = lax.broadcasted_iota(jnp.int32, (TB, T), 1)
    mask = jnp.where(col <= row, 0.0, -1e9)
    kr = [_rope(k_ref[:, j * HD:(j + 1) * HD], ck_ref[...], sk_ref[...])
          for j in range(QH // 2)]
    outs = []
    for j in range(QH):
        q = _rope(q_ref[:, j * HD:(j + 1) * HD], cq_ref[...], sq_ref[...])
        s = lax.dot_general(q, kr[j // 2], (((1,), (1,)), ((), ())),
                            preferred_element_type=jnp.float32)
        s = s * (1.0 / 8.0) + mask
        m = jnp.max(s, axis=1, keepdims=True)
        p = jnp.exp(s - m)
        p = p / jnp.sum(p, axis=1, keepdims=True)
        outs.append(jnp.dot(p, v_ref[:, (j // 2) * HD:(j // 2 + 1) * HD],
                            preferred_element_type=jnp.float32))
    o_ref[...] = jnp.concatenate(outs, axis=1)


def _outproj_body(x_ref, o_ref, wo_ref, y_ref):
    y_ref[...] = x_ref[...] + jnp.dot(o_ref[...], wo_ref[0],
                                      preferred_element_type=jnp.float32)


def _router_body(x_ref, ln_ref, g_ref, h_ref, ti_ref, tv_ref):
    h = _rms_rows(x_ref[...], ln_ref[0])
    h_ref[...] = h
    gl = jnp.dot(h, g_ref[0], preferred_element_type=jnp.float32)
    lane = lax.broadcasted_iota(jnp.int32, (TB, 128), 1)
    gl = jnp.where(lane < E, gl, -1e30)
    m = jnp.max(gl, axis=1, keepdims=True)
    e = jnp.exp(gl - m)
    p = e / jnp.sum(e, axis=1, keepdims=True)
    m1 = jnp.max(p, axis=1, keepdims=True)
    i1 = jnp.min(jnp.where(p == m1, lane, 9999), axis=1, keepdims=True)
    p2 = jnp.where(lane == i1, -1.0, p)
    m2 = jnp.max(p2, axis=1, keepdims=True)
    i2 = jnp.min(jnp.where(p2 == m2, lane, 9999), axis=1, keepdims=True)
    tot = m1 + m2
    ti_ref[...] = jnp.where(lane == 0, i1, jnp.where(lane == 1, i2, 0))
    tv_ref[...] = jnp.where(lane == 0, m1 / tot,
                            jnp.where(lane == 1, m2 / tot, 0.0))


FF2 = FF // 2


def _expert_body(be_ref, h_ref, gi_ref, w1_ref, w2_ref, w3_ref, wv_ref,
                 os_ref, hs_s):
    f = pl.program_id(1)

    @pl.when(f == 0)
    def _():
        cols = lax.broadcasted_iota(jnp.int32, (EB, T), 1)
        oh = (cols == gi_ref[...]).astype(jnp.float32)
        hs_s[...] = jnp.dot(oh, h_ref[...],
                            preferred_element_type=jnp.float32)

    h = hs_s[...]
    a = jax.nn.silu(jnp.dot(h, w1_ref[0, 0],
                            preferred_element_type=jnp.float32))
    a = a * jnp.dot(h, w3_ref[0, 0], preferred_element_type=jnp.float32)
    o = jnp.dot(a, w2_ref[0, 0], preferred_element_type=jnp.float32)

    @pl.when(f == 0)
    def _():
        os_ref[...] = o * wv_ref[...]

    @pl.when(f == 1)
    def _():
        os_ref[...] = os_ref[...] + o * wv_ref[...]


def _add3_body(x_ref, os_ref, p1_ref, p2_ref, y_ref):
    cols = lax.broadcasted_iota(jnp.int32, (TB, AP), 1)
    comb = ((cols == p1_ref[...]) | (cols == p2_ref[...])).astype(
        jnp.float32)
    y_ref[...] = x_ref[...] + jnp.dot(comb, os_ref[...],
                                      preferred_element_type=jnp.float32)


def _ce_body(xf_ref, fn_ref, w_ref, lab_ref, out_ref, m_s, s_s, l_s):
    j = pl.program_id(0)

    @pl.when(j == 0)
    def _():
        m_s[...] = jnp.full((T, 1), -1e30, jnp.float32)
        s_s[...] = jnp.zeros((T, 1), jnp.float32)
        l_s[...] = jnp.zeros((T, 1), jnp.float32)

    xn = _rms_rows(xf_ref[...], fn_ref[...])
    lg = jnp.dot(xn, w_ref[...], preferred_element_type=jnp.float32)
    bm = jnp.max(lg, axis=1, keepdims=True)
    m_old = m_s[...]
    m_new = jnp.maximum(m_old, bm)
    s_s[...] = s_s[...] * jnp.exp(m_old - m_new) + jnp.sum(
        jnp.exp(lg - m_new), axis=1, keepdims=True)
    m_s[...] = m_new
    cols = j * VB + lax.broadcasted_iota(jnp.int32, (T, VB), 1)
    match = cols == lab_ref[...]
    l_s[...] = l_s[...] + jnp.sum(jnp.where(match, lg, 0.0), axis=1,
                                  keepdims=True)

    @pl.when(j == NVB - 1)
    def _():
        lse = m_s[...] + jnp.log(s_s[...])
        out_ref[0, 0] = jnp.mean(lse - l_s[...])



_f32 = jnp.float32


def _qkv_call(l, x, ln, wq, wk, wv):
    return pl.pallas_call(
        _qkv_body,
        grid=(NTB,),
        in_specs=[
            pl.BlockSpec((TB, D), lambda i: (i, 0)),
            pl.BlockSpec((1, 1, D), lambda i: (l, 0, 0)),
            pl.BlockSpec((1, D, H * HD), lambda i: (l, 0, 0)),
            pl.BlockSpec((1, D, KV * HD), lambda i: (l, 0, 0)),
            pl.BlockSpec((1, D, KV * HD), lambda i: (l, 0, 0)),
        ],
        out_specs=[
            pl.BlockSpec((TB, H * HD), lambda i: (i, 0)),
            pl.BlockSpec((TB, KV * HD), lambda i: (i, 0)),
            pl.BlockSpec((TB, KV * HD), lambda i: (i, 0)),
        ],
        out_shape=[
            jax.ShapeDtypeStruct((T, H * HD), _f32),
            jax.ShapeDtypeStruct((T, KV * HD), _f32),
            jax.ShapeDtypeStruct((T, KV * HD), _f32),
        ],
    )(x, ln, wq, wk, wv)


def _attn_call(q, k, v, cos, sin):
    return pl.pallas_call(
        _attn_body,
        grid=(H // QH, NTB),
        in_specs=[
            pl.BlockSpec((TB, QH * HD), lambda h4, qi: (qi, h4)),
            pl.BlockSpec((T, QH * HD // 2), lambda h4, qi: (0, h4)),
            pl.BlockSpec((T, QH * HD // 2), lambda h4, qi: (0, h4)),
            pl.BlockSpec((TB, HD), lambda h4, qi: (qi, 0)),
            pl.BlockSpec((TB, HD), lambda h4, qi: (qi, 0)),
            pl.BlockSpec((T, HD), lambda h4, qi: (0, 0)),
            pl.BlockSpec((T, HD), lambda h4, qi: (0, 0)),
        ],
        out_specs=pl.BlockSpec((TB, QH * HD), lambda h4, qi: (qi, h4)),
        out_shape=jax.ShapeDtypeStruct((T, H * HD), _f32),
    )(q, k, v, cos, sin, cos, sin)


def _outproj_call(l, x, o, wo):
    return pl.pallas_call(
        _outproj_body,
        grid=(NTB,),
        in_specs=[
            pl.BlockSpec((TB, D), lambda i: (i, 0)),
            pl.BlockSpec((TB, H * HD), lambda i: (i, 0)),
            pl.BlockSpec((1, H * HD, D), lambda i: (l, 0, 0)),
        ],
        out_specs=pl.BlockSpec((TB, D), lambda i: (i, 0)),
        out_shape=jax.ShapeDtypeStruct((T, D), _f32),
    )(x, o, wo)


def _router_call(l, x, ln, gate_pad):
    return pl.pallas_call(
        _router_body,
        grid=(NTB,),
        in_specs=[
            pl.BlockSpec((TB, D), lambda i: (i, 0)),
            pl.BlockSpec((1, 1, D), lambda i: (l, 0, 0)),
            pl.BlockSpec((1, D, 128), lambda i: (l, 0, 0)),
        ],
        out_specs=[
            pl.BlockSpec((TB, D), lambda i: (i, 0)),
            pl.BlockSpec((TB, 128), lambda i: (i, 0)),
            pl.BlockSpec((TB, 128), lambda i: (i, 0)),
        ],
        out_shape=[
            jax.ShapeDtypeStruct((T, D), _f32),
            jax.ShapeDtypeStruct((T, 128), jnp.int32),
            jax.ShapeDtypeStruct((T, 128), _f32),
        ],
    )(x, ln, gate_pad)


def _expert_call(l, be, h, gidx, w1, w2, w3, wvec):
    spec = pltpu.PrefetchScalarGridSpec(
        num_scalar_prefetch=1,
        grid=(NEB, 2),
        in_specs=[
            pl.BlockSpec((T, D), lambda b, f, be_ref: (0, 0)),
            pl.BlockSpec((EB, 1), lambda b, f, be_ref: (b, 0)),
            pl.BlockSpec((1, 1, D, FF2),
                         lambda b, f, be_ref: (l, be_ref[b], 0, f)),
            pl.BlockSpec((1, 1, FF2, D),
                         lambda b, f, be_ref: (l, be_ref[b], f, 0)),
            pl.BlockSpec((1, 1, D, FF2),
                         lambda b, f, be_ref: (l, be_ref[b], 0, f)),
            pl.BlockSpec((EB, 1), lambda b, f, be_ref: (b, 0)),
        ],
        out_specs=pl.BlockSpec((EB, D), lambda b, f, be_ref: (b, 0)),
        scratch_shapes=[pltpu.VMEM((EB, D), jnp.float32)],
    )
    return pl.pallas_call(
        _expert_body,
        grid_spec=spec,
        out_shape=jax.ShapeDtypeStruct((AP, D), _f32),
        compiler_params=pltpu.CompilerParams(
            dimension_semantics=("arbitrary", "arbitrary")),
    )(be, h, gidx, w1, w2, w3, wvec)


def _add3_call(x, os_, p1, p2):
    return pl.pallas_call(
        _add3_body,
        grid=(NTB,),
        in_specs=[
            pl.BlockSpec((TB, D), lambda i: (i, 0)),
            pl.BlockSpec((AP, D), lambda i: (0, 0)),
            pl.BlockSpec((TB, 1), lambda i: (i, 0)),
            pl.BlockSpec((TB, 1), lambda i: (i, 0)),
        ],
        out_specs=pl.BlockSpec((TB, D), lambda i: (i, 0)),
        out_shape=jax.ShapeDtypeStruct((T, D), _f32),
    )(x, os_, p1, p2)


def _ce_call(xf, fnorm, lm_head, labels):
    out = pl.pallas_call(
        _ce_body,
        grid=(NVB,),
        in_specs=[
            pl.BlockSpec((T, D), lambda j: (0, 0)),
            pl.BlockSpec((1, D), lambda j: (0, 0)),
            pl.BlockSpec((D, VB), lambda j: (0, j)),
            pl.BlockSpec((T, 1), lambda j: (0, 0)),
        ],
        out_specs=pl.BlockSpec(memory_space=pltpu.SMEM),
        out_shape=jax.ShapeDtypeStruct((1, 1), _f32),
        scratch_shapes=[
            pltpu.VMEM((T, 1), _f32),
            pltpu.VMEM((T, 1), _f32),
            pltpu.VMEM((T, 1), _f32),
        ],
        compiler_params=pltpu.CompilerParams(
            dimension_semantics=("arbitrary",)),
    )(xf, fnorm, lm_head, labels)
    return out[0, 0]



def _route_plan(ti, tv):
    er = jnp.arange(E)
    oh1 = (ti[:, 0:1] == er[None, :]).astype(jnp.int32)
    oh2 = (ti[:, 1:2] == er[None, :]).astype(jnp.int32)
    c1 = jnp.cumsum(oh1, axis=0)
    c2 = jnp.cumsum(oh2, axis=0)
    cnt1 = c1[-1]
    cnt = cnt1 + c2[-1]
    pc = ((cnt + EB - 1) // EB) * EB
    po = jnp.cumsum(pc) - pc
    r1 = jnp.sum((c1 - oh1 + po[None, :]) * oh1, axis=1)
    r2 = jnp.sum((c2 - oh2 + cnt1[None, :] + po[None, :]) * oh2, axis=1)
    tok = jnp.arange(T, dtype=jnp.int32)
    gidx = jnp.zeros((AP,), jnp.int32).at[r1].set(tok).at[r2].set(tok)
    wvec = jnp.zeros((AP,), jnp.float32).at[r1].set(tv[:, 0]).at[r2].set(
        tv[:, 1])
    p1 = r1.reshape(T, 1).astype(jnp.int32)
    p2 = r2.reshape(T, 1).astype(jnp.int32)

    cum_pc = jnp.cumsum(pc)
    s = jnp.arange(NEB) * EB
    be = jnp.minimum(jnp.sum(
        (s[:, None] >= cum_pc[None, :]).astype(jnp.int32), axis=1),
        E - 1).astype(jnp.int32)
    return gidx.reshape(AP, 1), wvec.reshape(AP, 1), p1, p2, be



def kernel(input_ids, labels, embed, ln1, ln2, final_norm, wq, wk, wv, wo,
           gate, w1, w2, w3, lm_head):
    ids = input_ids.reshape(T).astype(jnp.int32)
    x = _sc_gather(embed, ids)

    pos = jnp.arange(T, dtype=jnp.float32)
    inv_f = 1.0 / (THETA ** (jnp.arange(0, HD, 2, dtype=jnp.float32) / HD))
    fr = pos[:, None] * inv_f[None, :]
    emb = jnp.concatenate([fr, fr], axis=-1)
    cos = jnp.cos(emb)
    sin = jnp.sin(emb)

    gate_pad = jnp.pad(gate, ((0, 0), (0, 0), (0, 128 - E)))
    ln1 = ln1.reshape(L, 1, D)
    ln2 = ln2.reshape(L, 1, D)
    for l in range(L):
        q, k, v = _qkv_call(l, x, ln1, wq, wk, wv)
        o = _attn_call(q, k, v, cos, sin)
        x = _outproj_call(l, x, o, wo)

        h, ti_p, tv_p = _router_call(l, x, ln2, gate_pad)
        ti = ti_p[:, :TOPK]
        tv = tv_p[:, :TOPK]
        gidx, wvec, p1, p2, be = _route_plan(ti, tv)

        os_ = _expert_call(l, be, h, gidx, w1, w2, w3, wvec)
        x = _add3_call(x, os_, p1, p2)

    lab = labels.reshape(T, 1).astype(jnp.int32)
    return _ce_call(x, final_norm.reshape(1, D), lm_head, lab)

# --- scband reference (transcript-rebuilt; emitter-appended) ---
"""Pipeline reference for scband-net-73263552135202 (READ-ONLY COPY).

The authoritative reference and input builder live on the scoring server;
editing this copy changes nothing except your own understanding.
"""

import jax, jax.numpy as jnp
import numpy as np

B = 1; T = 2048; D = 1024; H = 16; KV = 8; HD = 64; L = 2; E = 8; TOPK = 2; FF = 2048; V = 32000; EPS = 1e-5; THETA = 1e6

def setup_inputs(seed: int = 0):
    key = jax.random.key(seed)
    ks = jax.random.split(key, 16)
    s = 0.02
    inp = {}
    inp['input_ids'] = jax.random.randint(ks[0], (B, T), 0, V)
    inp['labels'] = jax.random.randint(ks[1], (B, T), 0, V)
    inp['embed'] = jax.random.normal(ks[2], (V, D), jnp.float32) * s
    inp['ln1'] = jnp.ones((L, D), jnp.float32)
    inp['ln2'] = jnp.ones((L, D), jnp.float32)
    inp['final_norm'] = jnp.ones((D,), jnp.float32)
    inp['wq'] = jax.random.normal(ks[3], (L, D, H * HD), jnp.float32) * s
    inp['wk'] = jax.random.normal(ks[4], (L, D, KV * HD), jnp.float32) * s
    inp['wv'] = jax.random.normal(ks[5], (L, D, KV * HD), jnp.float32) * s
    inp['wo'] = jax.random.normal(ks[6], (L, H * HD, D), jnp.float32) * s
    inp['gate'] = jax.random.normal(ks[7], (L, D, E), jnp.float32) * s
    inp['w1'] = jax.random.normal(ks[8], (L, E, D, FF), jnp.float32) * s
    inp['w2'] = jax.random.normal(ks[9], (L, E, FF, D), jnp.float32) * s
    inp['w3'] = jax.random.normal(ks[10], (L, E, D, FF), jnp.float32) * s
    inp['lm_head'] = jax.random.normal(ks[11], (D, V), jnp.float32) * s
    return inp

def _rms(x, w):
    v = jnp.mean(x * x, axis=-1, keepdims=True)
    return x * jax.lax.rsqrt(v + EPS) * w

def _rot_half(x):
    h = x.shape[-1] // 2
    return jnp.concatenate([-x[..., h:], x[..., :h]], axis=-1)

def _fwd(params, input_ids, labels):
    embed, ln1, ln2, final_norm, wq, wk, wv, wo, gate, w1, w2, w3, lm_head = params
    x = embed[input_ids]
    pos = jnp.arange(T).astype(jnp.float32)
    inv = 1.0 / (THETA ** (jnp.arange(0, HD, 2, dtype=jnp.float32) / HD))
    fr = pos[:, None] * inv[None, :]
    emb = jnp.concatenate([fr, fr], axis=-1)
    cos = jnp.cos(emb)[None, None, :, :]
    sin = jnp.sin(emb)[None, None, :, :]
    mask = jnp.where(jnp.tril(jnp.ones((T, T), bool)), 0.0, -1e9)[None, None, :, :]
    for l in range(L):
        h = _rms(x, ln1[l])
        q = (h @ wq[l]).reshape(B, T, H, HD).transpose(0, 2, 1, 3)
        k = (h @ wk[l]).reshape(B, T, KV, HD).transpose(0, 2, 1, 3)
        v = (h @ wv[l]).reshape(B, T, KV, HD).transpose(0, 2, 1, 3)
        q = q * cos + _rot_half(q) * sin
        k = k * cos + _rot_half(k) * sin
        k = jnp.repeat(k, H // KV, axis=1)
        v = jnp.repeat(v, H // KV, axis=1)
        att = jnp.einsum('bhqd,bhkd->bhqk', q, k) / np.sqrt(HD).astype(np.float32) + mask
        att = jax.nn.softmax(att, axis=-1)
        o = jnp.einsum('bhqk,bhkd->bhqd', att, v).transpose(0, 2, 1, 3).reshape(B, T, H * HD)
        x = x + o @ wo[l]
        h = _rms(x, ln2[l]).reshape(B * T, D)
        gl = h @ gate[l]
        probs = jax.nn.softmax(gl, axis=-1)
        tv, ti = jax.lax.top_k(probs, TOPK)
        tv = tv / jnp.sum(tv, axis=-1, keepdims=True)
        rw = jnp.zeros((B * T, E), jnp.float32).at[jnp.arange(B * T)[:, None], ti].add(tv)
        a = jax.nn.silu(jnp.einsum('td,edf->tef', h, w1[l])) * jnp.einsum('td,edf->tef', h, w3[l])
        mo = jnp.einsum('tef,efd,te->td', a, w2[l], rw)
        x = x + mo.reshape(B, T, D)
    x = _rms(x, final_norm)
    logits = (x @ lm_head).reshape(B * T, V)
    lp = jax.nn.log_softmax(logits, axis=-1)
    loss = -jnp.mean(lp[jnp.arange(B * T), labels.reshape(-1)])
    return loss

def reference(input_ids, labels, embed, ln1, ln2, final_norm, wq, wk, wv, wo, gate, w1, w2, w3, lm_head):
    params = (embed, ln1, ln2, final_norm, wq, wk, wv, wo, gate, w1, w2, w3, lm_head)
    return _fwd(params, input_ids, labels)

if __name__ == "__main__":
    import jax
    _d = setup_inputs()
    print(jax.jit(kernel)(*tuple(_d.values())))

</pallas_src>

<mosaic_0001>
#map = affine_map<(d0, d1) -> (0, 0)>
#map1 = affine_map<(d0, d1) -> (0)>
module attributes {stable_mosaic.version = 14 : i64} {
  func.func @k(%arg0: i32, %arg1: i32, %arg2: memref<32000x1024xf32, #tpu.memory_space<hbm>>, %arg3: memref<2048xi32, #tpu.memory_space<hbm>>, %arg4: memref<2048x1024xf32, #tpu.memory_space<hbm>>, %arg5: memref<2x32xi32, #tpu.memory_space<vmem>>, %arg6: memref<2x32x1024xf32, #tpu.memory_space<vmem>>, %arg7: memref<!tpu.dma_semaphore, #tpu.memory_space<semaphore_mem>>) attributes {dimension_semantics = [#tpu.dimension_semantics<core_parallel>, #tpu.dimension_semantics<subcore_parallel>], iteration_bounds = array<i64: 2, 16>, scalar_prefetch = 0 : i64, scratch_operands = 3 : i64, tpu.core_type = #tpu.core_type<sc_vector_subcore>, window_params = [{transform_indices = #map}, {transform_indices = #map1}, {transform_indices = #map}]} {
    %mul3A = arith.constant 2 : i32
    %mul3A_0 = arith.muli %arg1, %mul3A : i32
    %add3A = arith.addi %mul3A_0, %arg0 : i32
    %mul3A_1 = arith.constant 64 : i32
    %mul3A_2 = arith.muli %add3A, %mul3A_1 : i32
    %add3A_3 = arith.constant 0 : i32
    %add3A_4 = arith.addi %mul3A_2, %add3A_3 : i32
    %run_scoped3A = arith.constant 0 : i32
    "tpu.region"() ({
      %run_scoped3A_60 = tpu.sem_alloc : memref<!tpu.dma_semaphore, #tpu.memory_space<semaphore_mem>>
      %dma_start3A_61 = arith.constant 0 : i32
      %dma_start3A_62 = tpu.memref_slice %arg5[%run_scoped3A, %dma_start3A_61] : memref<2x32xi32, #tpu.memory_space<vmem>> -> memref<1x32xi32, #tpu.memory_space<vmem>>
      %dma_start3A_63 = tpu.memref_squeeze %dma_start3A_62 : memref<1x32xi32, #tpu.memory_space<vmem>> -> memref<32xi32, #tpu.memory_space<vmem>>
      %dma_start3A_64 = tpu.memref_slice %arg3[%add3A_4] : memref<2048xi32, #tpu.memory_space<hbm>> -> memref<32xi32, #tpu.memory_space<hbm>>
      %dma_start3A_65 = arith.constant 0 : i32
      %dma_start3A_66 = tpu.memref_slice %arg5[%run_scoped3A, %dma_start3A_65] : memref<2x32xi32, #tpu.memory_space<vmem>> -> memref<1x32xi32, #tpu.memory_space<vmem>>
      %dma_start3A_67 = tpu.memref_squeeze %dma_start3A_66 : memref<1x32xi32, #tpu.memory_space<vmem>> -> memref<32xi32, #tpu.memory_space<vmem>>
      %dma_start3A_68 = tpu.memref_slice %arg3[%add3A_4] : memref<2048xi32, #tpu.memory_space<hbm>> -> memref<32xi32, #tpu.memory_space<hbm>>
      tpu.enqueue_dma source(%dma_start3A_68 : memref<32xi32, #tpu.memory_space<hbm>>) target(%dma_start3A_67 : memref<32xi32, #tpu.memory_space<vmem>>) target_semaphore(%run_scoped3A_60 : memref<!tpu.dma_semaphore, #tpu.memory_space<semaphore_mem>>)
      %dma_wait3A_69 = arith.constant 0 : i32
      %dma_wait3A_70 = tpu.memref_slice %arg5[%run_scoped3A, %dma_wait3A_69] : memref<2x32xi32, #tpu.memory_space<vmem>> -> memref<1x32xi32, #tpu.memory_space<vmem>>
      %dma_wait3A_71 = tpu.memref_squeeze %dma_wait3A_70 : memref<1x32xi32, #tpu.memory_space<vmem>> -> memref<32xi32, #tpu.memory_space<vmem>>
      %dma_wait3A_72 = tpu.memref_slice %arg3[%add3A_4] : memref<2048xi32, #tpu.memory_space<hbm>> -> memref<32xi32, #tpu.memory_space<hbm>>
      %dma_wait3A_73 = arith.constant 0 : i32
      %dma_wait3A_74 = tpu.memref_slice %arg5[%run_scoped3A, %dma_wait3A_73] : memref<2x32xi32, #tpu.memory_space<vmem>> -> memref<1x32xi32, #tpu.memory_space<vmem>>
      %dma_wait3A_75 = tpu.memref_squeeze %dma_wait3A_74 : memref<1x32xi32, #tpu.memory_space<vmem>> -> memref<32xi32, #tpu.memory_space<vmem>>
      %dma_wait3A_76 = tpu.memref_slice %arg3[%add3A_4] : memref<2048xi32, #tpu.memory_space<hbm>> -> memref<32xi32, #tpu.memory_space<hbm>>
      tpu.wait_dma2 semaphore(%run_scoped3A_60 : memref<!tpu.dma_semaphore, #tpu.memory_space<semaphore_mem>>) src(%dma_wait3A_76 : memref<32xi32, #tpu.memory_space<hbm>>) dst(%dma_wait3A_75 : memref<32xi32, #tpu.memory_space<vmem>>)
      tpu.yield
    }) : () -> ()
    %add3A_5 = arith.constant 32 : i32
    %add3A_6 = arith.addi %mul3A_2, %add3A_5 : i32
    %run_scoped3A_7 = arith.constant 1 : i32
    "tpu.region"() ({
      %run_scoped3A_60 = tpu.sem_alloc : memref<!tpu.dma_semaphore, #tpu.memory_space<semaphore_mem>>
      %dma_start3A_61 = arith.constant 0 : i32
      %dma_start3A_62 = tpu.memref_slice %arg5[%run_scoped3A_7, %dma_start3A_61] : memref<2x32xi32, #tpu.memory_space<vmem>> -> memref<1x32xi32, #tpu.memory_space<vmem>>
      %dma_start3A_63 = tpu.memref_squeeze %dma_start3A_62 : memref<1x32xi32, #tpu.memory_space<vmem>> -> memref<32xi32, #tpu.memory_space<vmem>>
      %dma_start3A_64 = tpu.memref_slice %arg3[%add3A_6] : memref<2048xi32, #tpu.memory_space<hbm>> -> memref<32xi32, #tpu.memory_space<hbm>>
      %dma_start3A_65 = arith.constant 0 : i32
      %dma_start3A_66 = tpu.memref_slice %arg5[%run_scoped3A_7, %dma_start3A_65] : memref<2x32xi32, #tpu.memory_space<vmem>> -> memref<1x32xi32, #tpu.memory_space<vmem>>
      %dma_start3A_67 = tpu.memref_squeeze %dma_start3A_66 : memref<1x32xi32, #tpu.memory_space<vmem>> -> memref<32xi32, #tpu.memory_space<vmem>>
      %dma_start3A_68 = tpu.memref_slice %arg3[%add3A_6] : memref<2048xi32, #tpu.memory_space<hbm>> -> memref<32xi32, #tpu.memory_space<hbm>>
      tpu.enqueue_dma source(%dma_start3A_68 : memref<32xi32, #tpu.memory_space<hbm>>) target(%dma_start3A_67 : memref<32xi32, #tpu.memory_space<vmem>>) target_semaphore(%run_scoped3A_60 : memref<!tpu.dma_semaphore, #tpu.memory_space<semaphore_mem>>)
      %dma_wait3A_69 = arith.constant 0 : i32
      %dma_wait3A_70 = tpu.memref_slice %arg5[%run_scoped3A_7, %dma_wait3A_69] : memref<2x32xi32, #tpu.memory_space<vmem>> -> memref<1x32xi32, #tpu.memory_space<vmem>>
      %dma_wait3A_71 = tpu.memref_squeeze %dma_wait3A_70 : memref<1x32xi32, #tpu.memory_space<vmem>> -> memref<32xi32, #tpu.memory_space<vmem>>
      %dma_wait3A_72 = tpu.memref_slice %arg3[%add3A_6] : memref<2048xi32, #tpu.memory_space<hbm>> -> memref<32xi32, #tpu.memory_space<hbm>>
      %dma_wait3A_73 = arith.constant 0 : i32
      %dma_wait3A_74 = tpu.memref_slice %arg5[%run_scoped3A_7, %dma_wait3A_73] : memref<2x32xi32, #tpu.memory_space<vmem>> -> memref<1x32xi32, #tpu.memory_space<vmem>>
      %dma_wait3A_75 = tpu.memref_squeeze %dma_wait3A_74 : memref<1x32xi32, #tpu.memory_space<vmem>> -> memref<32xi32, #tpu.memory_space<vmem>>
      %dma_wait3A_76 = tpu.memref_slice %arg3[%add3A_6] : memref<2048xi32, #tpu.memory_space<hbm>> -> memref<32xi32, #tpu.memory_space<hbm>>
      tpu.wait_dma2 semaphore(%run_scoped3A_60 : memref<!tpu.dma_semaphore, #tpu.memory_space<semaphore_mem>>) src(%dma_wait3A_76 : memref<32xi32, #tpu.memory_space<hbm>>) dst(%dma_wait3A_75 : memref<32xi32, #tpu.memory_space<vmem>>)
      tpu.yield
    }) : () -> ()
    %dma_start3A = arith.constant 0 : i32
    %dma_start3A_8 = arith.constant 0 : i32
    %dma_start3A_9 = arith.constant 0 : i32
    %dma_start3A_10 = arith.constant 0 : i32
    %dma_start3A_11 = tpu.memref_slice %arg6[%dma_start3A_8, %dma_start3A_9, %dma_start3A_10] : memref<2x32x1024xf32, #tpu.memory_space<vmem>> -> memref<1x32x1024xf32, #tpu.memory_space<vmem>>
    %dma_start3A_12 = tpu.memref_squeeze %dma_start3A_11 : memref<1x32x1024xf32, #tpu.memory_space<vmem>> -> memref<32x1024xf32, #tpu.memory_space<vmem>>
    %dma_start3A_13 = arith.constant 0 : i32
    %dma_start3A_14 = tpu.memref_slice %arg5[%dma_start3A, %dma_start3A_13] : memref<2x32xi32, #tpu.memory_space<vmem>> -> memref<1x32xi32, #tpu.memory_space<vmem>>
    %dma_start3A_15 = tpu.memref_squeeze %dma_start3A_14 : memref<1x32xi32, #tpu.memory_space<vmem>> -> memref<32xi32, #tpu.memory_space<vmem>>
    %dma_start3A_16 = arith.constant 0 : i32
    %dma_start3A_17 = arith.constant 0 : i32
    %dma_start3A_18 = tpu.memref_slice %arg2[%dma_start3A_16, %dma_start3A_17] : memref<32000x1024xf32, #tpu.memory_space<hbm>> -> memref<32000x1024xf32, #tpu.memory_space<hbm>>
    tpu.enqueue_indirect_dma source(%dma_start3A_18 : memref<32000x1024xf32, #tpu.memory_space<hbm>>) target(%dma_start3A_12 : memref<32x1024xf32, #tpu.memory_space<vmem>>) offsets(%dma_start3A_15 : memref<32xi32, #tpu.memory_space<vmem>>) semaphore(%arg7 : memref<!tpu.dma_semaphore, #tpu.memory_space<semaphore_mem>>)
    %dma_start3A_19 = arith.constant 1 : i32
    %dma_start3A_20 = arith.constant 1 : i32
    %dma_start3A_21 = arith.constant 0 : i32
    %dma_start3A_22 = arith.constant 0 : i32
    %dma_start3A_23 = tpu.memref_slice %arg6[%dma_start3A_20, %dma_start3A_21, %dma_start3A_22] : memref<2x32x1024xf32, #tpu.memory_space<vmem>> -> memref<1x32x1024xf32, #tpu.memory_space<vmem>>
    %dma_start3A_24 = tpu.memref_squeeze %dma_start3A_23 : memref<1x32x1024xf32, #tpu.memory_space<vmem>> -> memref<32x1024xf32, #tpu.memory_space<vmem>>
    %dma_start3A_25 = arith.constant 0 : i32
    %dma_start3A_26 = tpu.memref_slice %arg5[%dma_start3A_19, %dma_start3A_25] : memref<2x32xi32, #tpu.memory_space<vmem>> -> memref<1x32xi32, #tpu.memory_space<vmem>>
    %dma_start3A_27 = tpu.memref_squeeze %dma_start3A_26 : memref<1x32xi32, #tpu.memory_space<vmem>> -> memref<32xi32, #tpu.memory_space<vmem>>
    %dma_start3A_28 = arith.constant 0 : i32
    %dma_start3A_29 = arith.constant 0 : i32
    %dma_start3A_30 = tpu.memref_slice %arg2[%dma_start3A_28, %dma_start3A_29] : memref<32000x1024xf32, #tpu.memory_space<hbm>> -> memref<32000x1024xf32, #tpu.memory_space<hbm>>
    tpu.enqueue_indirect_dma source(%dma_start3A_30 : memref<32000x1024xf32, #tpu.memory_space<hbm>>) target(%dma_start3A_24 : memref<32x1024xf32, #tpu.memory_space<vmem>>) offsets(%dma_start3A_27 : memref<32xi32, #tpu.memory_space<vmem>>) semaphore(%arg7 : memref<!tpu.dma_semaphore, #tpu.memory_space<semaphore_mem>>)
    %dma_wait3A = arith.constant 0 : i32
    %dma_wait3A_31 = arith.constant 0 : i32
    %dma_wait3A_32 = arith.constant 0 : i32
    %dma_wait3A_33 = arith.constant 0 : i32
    %dma_wait3A_34 = tpu.memref_slice %arg6[%dma_wait3A_31, %dma_wait3A_32, %dma_wait3A_33] : memref<2x32x1024xf32, #tpu.memory_space<vmem>> -> memref<1x32x1024xf32, #tpu.memory_space<vmem>>
    %dma_wait3A_35 = tpu.memref_squeeze %dma_wait3A_34 : memref<1x32x1024xf32, #tpu.memory_space<vmem>> -> memref<32x1024xf32, #tpu.memory_space<vmem>>
    %dma_wait3A_36 = arith.constant 0 : i32
    %dma_wait3A_37 = tpu.memref_slice %arg5[%dma_wait3A, %dma_wait3A_36] : memref<2x32xi32, #tpu.memory_space<vmem>> -> memref<1x32xi32, #tpu.memory_space<vmem>>
    %dma_wait3A_38 = tpu.memref_squeeze %dma_wait3A_37 : memref<1x32xi32, #tpu.memory_space<vmem>> -> memref<32xi32, #tpu.memory_space<vmem>>
    %dma_wait3A_39 = arith.constant 0 : i32
    %dma_wait3A_40 = arith.constant 0 : i32
    %dma_wait3A_41 = tpu.memref_slice %arg2[%dma_wait3A_39, %dma_wait3A_40] : memref<32000x1024xf32, #tpu.memory_space<hbm>> -> memref<32000x1024xf32, #tpu.memory_space<hbm>>
    tpu.wait_indirect_dma semaphore(%arg7 : memref<!tpu.dma_semaphore, #tpu.memory_space<semaphore_mem>>) src(%dma_wait3A_41 : memref<32000x1024xf32, #tpu.memory_space<hbm>>) dst(%dma_wait3A_35 : memref<32x1024xf32, #tpu.memory_space<vmem>>)
    %add3A_42 = arith.constant 0 : i32
    %add3A_43 = arith.addi %mul3A_2, %add3A_42 : i32
    %run_scoped3A_44 = arith.constant 0 : i32
    "tpu.region"() ({
      %run_scoped3A_60 = tpu.sem_alloc : memref<!tpu.dma_semaphore, #tpu.memory_space<semaphore_mem>>
      %dma_start3A_61 = arith.constant 0 : i32
      %dma_start3A_62 = arith.constant 0 : i32
      %dma_start3A_63 = tpu.memref_slice %arg6[%run_scoped3A_44, %dma_start3A_61, %dma_start3A_62] : memref<2x32x1024xf32, #tpu.memory_space<vmem>> -> memref<1x32x1024xf32, #tpu.memory_space<vmem>>
      %dma_start3A_64 = tpu.memref_squeeze %dma_start3A_63 : memref<1x32x1024xf32, #tpu.memory_space<vmem>> -> memref<32x1024xf32, #tpu.memory_space<vmem>>
      %dma_start3A_65 = arith.constant 0 : i32
      %dma_start3A_66 = tpu.memref_slice %arg4[%add3A_43, %dma_start3A_65] : memref<2048x1024xf32, #tpu.memory_space<hbm>> -> memref<32x1024xf32, #tpu.memory_space<hbm>>
      %dma_start3A_67 = arith.constant 0 : i32
      %dma_start3A_68 = tpu.memref_slice %arg4[%add3A_43, %dma_start3A_67] : memref<2048x1024xf32, #tpu.memory_space<hbm>> -> memref<32x1024xf32, #tpu.memory_space<hbm>>
      %dma_start3A_69 = arith.constant 0 : i32
      %dma_start3A_70 = arith.constant 0 : i32
      %dma_start3A_71 = tpu.memref_slice %arg6[%run_scoped3A_44, %dma_start3A_69, %dma_start3A_70] : memref<2x32x1024xf32, #tpu.memory_space<vmem>> -> memref<1x32x1024xf32, #tpu.memory_space<vmem>>
      %dma_start3A_72 = tpu.memref_squeeze %dma_start3A_71 : memref<1x32x1024xf32, #tpu.memory_space<vmem>> -> memref<32x1024xf32, #tpu.memory_space<vmem>>
      tpu.enqueue_dma source(%dma_start3A_72 : memref<32x1024xf32, #tpu.memory_space<vmem>>) target(%dma_start3A_68 : memref<32x1024xf32, #tpu.memory_space<hbm>>) target_semaphore(%run_scoped3A_60 : memref<!tpu.dma_semaphore, #tpu.memory_space<semaphore_mem>>)
      %dma_wait3A_73 = arith.constant 0 : i32
      %dma_wait3A_74 = arith.constant 0 : i32
      %dma_wait3A_75 = tpu.memref_slice %arg6[%run_scoped3A_44, %dma_wait3A_73, %dma_wait3A_74] : memref<2x32x1024xf32, #tpu.memory_space<vmem>> -> memref<1x32x1024xf32, #tpu.memory_space<vmem>>
      %dma_wait3A_76 = tpu.memref_squeeze %dma_wait3A_75 : memref<1x32x1024xf32, #tpu.memory_space<vmem>> -> memref<32x1024xf32, #tpu.memory_space<vmem>>
      %dma_wait3A_77 = arith.constant 0 : i32
      %dma_wait3A_78 = tpu.memref_slice %arg4[%add3A_43, %dma_wait3A_77] : memref<2048x1024xf32, #tpu.memory_space<hbm>> -> memref<32x1024xf32, #tpu.memory_space<hbm>>
      %dma_wait3A_79 = arith.constant 0 : i32
      %dma_wait3A_80 = tpu.memref_slice %arg4[%add3A_43, %dma_wait3A_79] : memref<2048x1024xf32, #tpu.memory_space<hbm>> -> memref<32x1024xf32, #tpu.memory_space<hbm>>
      %dma_wait3A_81 = arith.constant 0 : i32
      %dma_wait3A_82 = arith.constant 0 : i32
      %dma_wait3A_83 = tpu.memref_slice %arg6[%run_scoped3A_44, %dma_wait3A_81, %dma_wait3A_82] : memref<2x32x1024xf32, #tpu.memory_space<vmem>> -> memref<1x32x1024xf32, #tpu.memory_space<vmem>>
      %dma_wait3A_84 = tpu.memref_squeeze %dma_wait3A_83 : memref<1x32x1024xf32, #tpu.memory_space<vmem>> -> memref<32x1024xf32, #tpu.memory_space<vmem>>
      tpu.wait_dma2 semaphore(%run_scoped3A_60 : memref<!tpu.dma_semaphore, #tpu.memory_space<semaphore_mem>>) src(%dma_wait3A_84 : memref<32x1024xf32, #tpu.memory_space<vmem>>) dst(%dma_wait3A_80 : memref<32x1024xf32, #tpu.memory_space<hbm>>)
      tpu.yield
    }) : () -> ()
    %dma_wait3A_45 = arith.constant 1 : i32
    %dma_wait3A_46 = arith.constant 1 : i32
    %dma_wait3A_47 = arith.constant 0 : i32
    %dma_wait3A_48 = arith.constant 0 : i32
    %dma_wait3A_49 = tpu.memref_slice %arg6[%dma_wait3A_46, %dma_wait3A_47, %dma_wait3A_48] : memref<2x32x1024xf32, #tpu.memory_space<vmem>> -> memref<1x32x1024xf32, #tpu.memory_space<vmem>>
    %dma_wait3A_50 = tpu.memref_squeeze %dma_wait3A_49 : memref<1x32x1024xf32, #tpu.memory_space<vmem>> -> memref<32x1024xf32, #tpu.memory_space<vmem>>
    %dma_wait3A_51 = arith.constant 0 : i32
    %dma_wait3A_52 = tpu.memref_slice %arg5[%dma_wait3A_45, %dma_wait3A_51] : memref<2x32xi32, #tpu.memory_space<vmem>> -> memref<1x32xi32, #tpu.memory_space<vmem>>
    %dma_wait3A_53 = tpu.memref_squeeze %dma_wait3A_52 : memref<1x32xi32, #tpu.memory_space<vmem>> -> memref<32xi32, #tpu.memory_space<vmem>>
    %dma_wait3A_54 = arith.constant 0 : i32
    %dma_wait3A_55 = arith.constant 0 : i32
    %dma_wait3A_56 = tpu.memref_slice %arg2[%dma_wait3A_54, %dma_wait3A_55] : memref<32000x1024xf32, #tpu.memory_space<hbm>> -> memref<32000x1024xf32, #tpu.memory_space<hbm>>
    tpu.wait_indirect_dma semaphore(%arg7 : memref<!tpu.dma_semaphore, #tpu.memory_space<semaphore_mem>>) src(%dma_wait3A_56 : memref<32000x1024xf32, #tpu.memory_space<hbm>>) dst(%dma_wait3A_50 : memref<32x1024xf32, #tpu.memory_space<vmem>>)
    %add3A_57 = arith.constant 32 : i32
    %add3A_58 = arith.addi %mul3A_2, %add3A_57 : i32
    %run_scoped3A_59 = arith.constant 1 : i32
    "tpu.region"() ({
      %run_scoped3A_60 = tpu.sem_alloc : memref<!tpu.dma_semaphore, #tpu.memory_space<semaphore_mem>>
      %dma_start3A_61 = arith.constant 0 : i32
      %dma_start3A_62 = arith.constant 0 : i32
      %dma_start3A_63 = tpu.memref_slice %arg6[%run_scoped3A_59, %dma_start3A_61, %dma_start3A_62] : memref<2x32x1024xf32, #tpu.memory_space<vmem>> -> memref<1x32x1024xf32, #tpu.memory_space<vmem>>
      %dma_start3A_64 = tpu.memref_squeeze %dma_start3A_63 : memref<1x32x1024xf32, #tpu.memory_space<vmem>> -> memref<32x1024xf32, #tpu.memory_space<vmem>>
      %dma_start3A_65 = arith.constant 0 : i32
      %dma_start3A_66 = tpu.memref_slice %arg4[%add3A_58, %dma_start3A_65] : memref<2048x1024xf32, #tpu.memory_space<hbm>> -> memref<32x1024xf32, #tpu.memory_space<hbm>>
      %dma_start3A_67 = arith.constant 0 : i32
      %dma_start3A_68 = tpu.memref_slice %arg4[%add3A_58, %dma_start3A_67] : memref<2048x1024xf32, #tpu.memory_space<hbm>> -> memref<32x1024xf32, #tpu.memory_space<hbm>>
      %dma_start3A_69 = arith.constant 0 : i32
      %dma_start3A_70 = arith.constant 0 : i32
      %dma_start3A_71 = tpu.memref_slice %arg6[%run_scoped3A_59, %dma_start3A_69, %dma_start3A_70] : memref<2x32x1024xf32, #tpu.memory_space<vmem>> -> memref<1x32x1024xf32, #tpu.memory_space<vmem>>
      %dma_start3A_72 = tpu.memref_squeeze %dma_start3A_71 : memref<1x32x1024xf32, #tpu.memory_space<vmem>> -> memref<32x1024xf32, #tpu.memory_space<vmem>>
      tpu.enqueue_dma source(%dma_start3A_72 : memref<32x1024xf32, #tpu.memory_space<vmem>>) target(%dma_start3A_68 : memref<32x1024xf32, #tpu.memory_space<hbm>>) target_semaphore(%run_scoped3A_60 : memref<!tpu.dma_semaphore, #tpu.memory_space<semaphore_mem>>)
      %dma_wait3A_73 = arith.constant 0 : i32
      %dma_wait3A_74 = arith.constant 0 : i32
      %dma_wait3A_75 = tpu.memref_slice %arg6[%run_scoped3A_59, %dma_wait3A_73, %dma_wait3A_74] : memref<2x32x1024xf32, #tpu.memory_space<vmem>> -> memref<1x32x1024xf32, #tpu.memory_space<vmem>>
      %dma_wait3A_76 = tpu.memref_squeeze %dma_wait3A_75 : memref<1x32x1024xf32, #tpu.memory_space<vmem>> -> memref<32x1024xf32, #tpu.memory_space<vmem>>
      %dma_wait3A_77 = arith.constant 0 : i32
      %dma_wait3A_78 = tpu.memref_slice %arg4[%add3A_58, %dma_wait3A_77] : memref<2048x1024xf32, #tpu.memory_space<hbm>> -> memref<32x1024xf32, #tpu.memory_space<hbm>>
      %dma_wait3A_79 = arith.constant 0 : i32
      %dma_wait3A_80 = tpu.memref_slice %arg4[%add3A_58, %dma_wait3A_79] : memref<2048x1024xf32, #tpu.memory_space<hbm>> -> memref<32x1024xf32, #tpu.memory_space<hbm>>
      %dma_wait3A_81 = arith.constant 0 : i32
      %dma_wait3A_82 = arith.constant 0 : i32
      %dma_wait3A_83 = tpu.memref_slice %arg6[%run_scoped3A_59, %dma_wait3A_81, %dma_wait3A_82] : memref<2x32x1024xf32, #tpu.memory_space<vmem>> -> memref<1x32x1024xf32, #tpu.memory_space<vmem>>
      %dma_wait3A_84 = tpu.memref_squeeze %dma_wait3A_83 : memref<1x32x1024xf32, #tpu.memory_space<vmem>> -> memref<32x1024xf32, #tpu.memory_space<vmem>>
      tpu.wait_dma2 semaphore(%run_scoped3A_60 : memref<!tpu.dma_semaphore, #tpu.memory_space<semaphore_mem>>) src(%dma_wait3A_84 : memref<32x1024xf32, #tpu.memory_space<vmem>>) dst(%dma_wait3A_80 : memref<32x1024xf32, #tpu.memory_space<hbm>>)
      tpu.yield
    }) : () -> ()
    return
  }
}

module attributes {stable_mosaic.version = 14 : i64} {
  func.func @_qkv_body(%arg0: i32, %arg1: memref<256x1024xf32, #tpu.memory_space<vmem>>, %arg2: memref<1x1x1024xf32, #tpu.memory_space<vmem>>, %arg3: memref<1x1024x1024xf32, #tpu.memory_space<vmem>>, %arg4: memref<1x1024x512xf32, #tpu.memory_space<vmem>>, %arg5: memref<1x1024x512xf32, #tpu.memory_space<vmem>>, %arg6: memref<256x1024xf32, #tpu.memory_space<vmem>>, %arg7: memref<256x512xf32, #tpu.memory_space<vmem>>, %arg8: memref<256x512xf32, #tpu.memory_space<vmem>>) attributes {dimension_semantics = [#tpu.dimension_semantics<arbitrary>], iteration_bounds = array<i64: 8>, scalar_prefetch = 0 : i64, scratch_operands = 0 : i64, tpu.core_type = #tpu.core_type<tc>, window_params = [{transform_indices = @transform_0, window_bounds = array<i64: 256, 1024>}, {transform_indices = @transform_1, window_bounds = array<i64: 1, 1, 1024>}, {transform_indices = @transform_2, window_bounds = array<i64: 1, 1024, 1024>}, {transform_indices = @transform_3, window_bounds = array<i64: 1, 1024, 512>}, {transform_indices = @transform_4, window_bounds = array<i64: 1, 1024, 512>}, {transform_indices = @transform_5, window_bounds = array<i64: 256, 1024>}, {transform_indices = @transform_6, window_bounds = array<i64: 256, 512>}, {transform_indices = @transform_7, window_bounds = array<i64: 256, 512>}]} {
    %get3A = arith.constant 0 : index
    %get3A_0 = arith.constant 0 : index
    %get3A_1 = vector.load %arg1[%get3A, %get3A_0] : memref<256x1024xf32, #tpu.memory_space<vmem>>, vector<256x1024xf32>
    %get3A_2 = arith.constant 0 : index
    %get3A_3 = arith.constant 0 : index
    %get3A_4 = arith.constant 0 : index
    %get3A_5 = vector.load %arg2[%get3A_2, %get3A_3, %get3A_4] : memref<1x1x1024xf32, #tpu.memory_space<vmem>>, vector<1x1x1024xf32>
    %get3A_6 = vector.shape_cast %get3A_5 : vector<1x1x1024xf32> to vector<1x1024xf32>
    %mul3A = arith.mulf %get3A_1, %get3A_1 : vector<256x1024xf32>
    %reduce_sum3A = arith.constant dense<0.000000e+00> : vector<256xf32>
    %reduce_sum3A_7 = vector.multi_reduction <add>, %mul3A, %reduce_sum3A [1] : vector<256x1024xf32> to vector<256xf32>
    %broadcast_in_dim3A = vector.shape_cast %reduce_sum3A_7 : vector<256xf32> to vector<256x1xf32>
    %div3A = arith.constant 1.024000e+03 : f32
    %div3A_8 = vector.broadcast %div3A : f32 to vector<256x1xf32>
    %div3A_9 = arith.divf %broadcast_in_dim3A, %div3A_8 : vector<256x1xf32>
    %add3A = arith.constant 9.99999974E-6 : f32
    %add3A_10 = vector.broadcast %add3A : f32 to vector<256x1xf32>
    %add3A_11 = arith.addf %div3A_9, %add3A_10 : vector<256x1xf32>
    %rsqrt3A = math.rsqrt %add3A_11 : vector<256x1xf32>
    %mul3A_12 = vector.broadcast %rsqrt3A : vector<256x1xf32> to vector<256x1024xf32>
    %mul3A_13 = arith.mulf %get3A_1, %mul3A_12 : vector<256x1024xf32>
    %mul3A_14 = vector.broadcast %get3A_6 : vector<1x1024xf32> to vector<256x1024xf32>
    %mul3A_15 = arith.mulf %mul3A_13, %mul3A_14 : vector<256x1024xf32>
    %get3A_16 = arith.constant 0 : index
    %get3A_17 = arith.constant 0 : index
    %get3A_18 = arith.constant 0 : index
    %get3A_19 = vector.load %arg3[%get3A_16, %get3A_17, %get3A_18] : memref<1x1024x1024xf32, #tpu.memory_space<vmem>>, vector<1x1024x1024xf32>
    %get3A_20 = vector.shape_cast %get3A_19 : vector<1x1024x1024xf32> to vector<1024x1024xf32>
    %dot_general3A = arith.constant dense<0.000000e+00> : vector<256x1024xf32>
    %dot_general3A_21 = tpu.matmul %mul3A_15, %get3A_20, %dot_general3A {dimension_numbers = #tpu.dot_dimension_numbers<[1], [0], [0], [1], [0, 0, 1, 1], [], []>, transpose_lhs_hint = false} : vector<256x1024xf32>, vector<1024x1024xf32>, vector<256x1024xf32> -> vector<256x1024xf32>
    %swap3A = arith.constant 0 : index
    %swap3A_22 = arith.constant 0 : index
    %swap3A_23 = vector.load %arg6[%swap3A, %swap3A_22] : memref<256x1024xf32, #tpu.memory_space<vmem>>, vector<256x1024xf32>
    tpu.vector_store %arg6[%swap3A, %swap3A_22], %dot_general3A_21 {strides = array<i32>} : memref<256x1024xf32, #tpu.memory_space<vmem>>, vector<256x1024xf32>,
    %get3A_24 = arith.constant 0 : index
    %get3A_25 = arith.constant 0 : index
    %get3A_26 = arith.constant 0 : index
    %get3A_27 = vector.load %arg4[%get3A_24, %get3A_25, %get3A_26] : memref<1x1024x512xf32, #tpu.memory_space<vmem>>, vector<1x1024x512xf32>
    %get3A_28 = vector.shape_cast %get3A_27 : vector<1x1024x512xf32> to vector<1024x512xf32>
    %dot_general3A_29 = arith.constant dense<0.000000e+00> : vector<256x512xf32>
    %dot_general3A_30 = tpu.matmul %mul3A_15, %get3A_28, %dot_general3A_29 {dimension_numbers = #tpu.dot_dimension_numbers<[1], [0], [0], [1], [0, 0, 1, 1], [], []>, transpose_lhs_hint = false} : vector<256x1024xf32>, vector<1024x512xf32>, vector<256x512xf32> -> vector<256x512xf32>
    %swap3A_31 = arith.constant 0 : index
    %swap3A_32 = arith.constant 0 : index
    %swap3A_33 = vector.load %arg7[%swap3A_31, %swap3A_32] : memref<256x512xf32, #tpu.memory_space<vmem>>, vector<256x512xf32>
    tpu.vector_store %arg7[%swap3A_31, %swap3A_32], %dot_general3A_30 {strides = array<i32>} : memref<256x512xf32, #tpu.memory_space<vmem>>, vector<256x512xf32>,
    %get3A_34 = arith.constant 0 : index
    %get3A_35 = arith.constant 0 : index
    %get3A_36 = arith.constant 0 : index
    %get3A_37 = vector.load %arg5[%get3A_34, %get3A_35, %get3A_36] : memref<1x1024x512xf32, #tpu.memory_space<vmem>>, vector<1x1024x512xf32>
    %get3A_38 = vector.shape_cast %get3A_37 : vector<1x1024x512xf32> to vector<1024x512xf32>
    %dot_general3A_39 = arith.constant dense<0.000000e+00> : vector<256x512xf32>
    %dot_general3A_40 = tpu.matmul %mul3A_15, %get3A_38, %dot_general3A_39 {dimension_numbers = #tpu.dot_dimension_numbers<[1], [0], [0], [1], [0, 0, 1, 1], [], []>, transpose_lhs_hint = false} : vector<256x1024xf32>, vector<1024x512xf32>, vector<256x512xf32> -> vector<256x512xf32>
    %swap3A_41 = arith.constant 0 : index
    %swap3A_42 = arith.constant 0 : index
    %swap3A_43 = vector.load %arg8[%swap3A_41, %swap3A_42] : memref<256x512xf32, #tpu.memory_space<vmem>>, vector<256x512xf32>
    tpu.vector_store %arg8[%swap3A_41, %swap3A_42], %dot_general3A_40 {strides = array<i32>} : memref<256x512xf32, #tpu.memory_space<vmem>>, vector<256x512xf32>,
    return
  }
  func.func @transform_0(%arg0: i32) -> (i32, i32) {
    %c0_i32 = arith.constant 0 : i32
    %c0_i32_0 = arith.constant 0 : i32
    return %arg0, %c0_i32 : i32, i32
  }
  func.func @transform_1(%arg0: i32) -> (i32, i32, i32) {
    %c0_i32 = arith.constant 0 : i32
    %c0_i32_0 = arith.constant 0 : i32
    %c0_i32_1 = arith.constant 0 : i32
    %c0_i32_2 = arith.constant 0 : i32
    return %c0_i32, %c0_i32_0, %c0_i32_1 : i32, i32, i32
  }
  func.func @transform_2(%arg0: i32) -> (i32, i32, i32) {
    %c0_i32 = arith.constant 0 : i32
    %c0_i32_0 = arith.constant 0 : i32
    %c0_i32_1 = arith.constant 0 : i32
    %c0_i32_2 = arith.constant 0 : i32
    return %c0_i32, %c0_i32_0, %c0_i32_1 : i32, i32, i32
  }
  func.func @transform_3(%arg0: i32) -> (i32, i32, i32) {
    %c0_i32 = arith.constant 0 : i32
    %c0_i32_0 = arith.constant 0 : i32
    %c0_i32_1 = arith.constant 0 : i32
    %c0_i32_2 = arith.constant 0 : i32
    return %c0_i32, %c0_i32_0, %c0_i32_1 : i32, i32, i32
  }
  func.func @transform_4(%arg0: i32) -> (i32, i32, i32) {
    %c0_i32 = arith.constant 0 : i32
    %c0_i32_0 = arith.constant 0 : i32
    %c0_i32_1 = arith.constant 0 : i32
    %c0_i32_2 = arith.constant 0 : i32
    return %c0_i32, %c0_i32_0, %c0_i32_1 : i32, i32, i32
  }
  func.func @transform_5(%arg0: i32) -> (i32, i32) {
    %c0_i32 = arith.constant 0 : i32
    %c0_i32_0 = arith.constant 0 : i32
    return %arg0, %c0_i32 : i32, i32
  }
  func.func @transform_6(%arg0: i32) -> (i32, i32) {
    %c0_i32 = arith.constant 0 : i32
    %c0_i32_0 = arith.constant 0 : i32
    return %arg0, %c0_i32 : i32, i32
  }
  func.func @transform_7(%arg0: i32) -> (i32, i32) {
    %c0_i32 = arith.constant 0 : i32
    %c0_i32_0 = arith.constant 0 : i32
    return %arg0, %c0_i32 : i32, i32
  }
}

module attributes {stable_mosaic.version = 14 : i64} {
  func.func @_attn_body(%arg0: i32, %arg1: i32, %arg2: memref<256x256xf32, #tpu.memory_space<vmem>>, %arg3: memref<2048x128xf32, #tpu.memory_space<vmem>>, %arg4: memref<2048x128xf32, #tpu.memory_space<vmem>>, %arg5: memref<256x64xf32, #tpu.memory_space<vmem>>, %arg6: memref<256x64xf32, #tpu.memory_space<vmem>>, %arg7: memref<2048x64xf32, #tpu.memory_space<vmem>>, %arg8: memref<2048x64xf32, #tpu.memory_space<vmem>>, %arg9: memref<256x256xf32, #tpu.memory_space<vmem>>) attributes {dimension_semantics = [#tpu.dimension_semantics<arbitrary>, #tpu.dimension_semantics<arbitrary>], iteration_bounds = array<i64: 4, 8>, scalar_prefetch = 0 : i64, scratch_operands = 0 : i64, tpu.core_type = #tpu.core_type<tc>, window_params = [{transform_indices = @transform_0, window_bounds = array<i64: 256, 256>}, {transform_indices = @transform_1, window_bounds = array<i64: 2048, 128>}, {transform_indices = @transform_2, window_bounds = array<i64: 2048, 128>}, {transform_indices = @transform_3, window_bounds = array<i64: 256, 64>}, {transform_indices = @transform_4, window_bounds = array<i64: 256, 64>}, {pipeline_mode = #tpu.pipeline_mode<synchronous>, transform_indices = @transform_5, window_bounds = array<i64: 2048, 64>}, {pipeline_mode = #tpu.pipeline_mode<synchronous>, transform_indices = @transform_6, window_bounds = array<i64: 2048, 64>}, {transform_indices = @transform_7, window_bounds = array<i64: 256, 256>}]} {
    %mul3A = arith.constant 256 : i32
    %mul3A_0 = arith.muli %arg1, %mul3A : i32
    %iota3A = tpu.iota {dimensions = array<i32: 0>} : vector<256x2048xi32>
    %add3A = vector.broadcast %mul3A_0 : i32 to vector<256x2048xi32>
    %add3A_1 = arith.addi %add3A, %iota3A : vector<256x2048xi32>
    %iota3A_2 = tpu.iota {dimensions = array<i32: 1>} : vector<256x2048xi32>
    %le3A = arith.cmpi sle, %iota3A_2, %add3A_1 : vector<256x2048xi32>
    %jit3A = arith.constant 0.000000e+00 : f32
    %jit3A_3 = arith.constant -1.000000e+09 : f32
    %broadcast_in_dim3A = vector.broadcast %jit3A : f32 to vector<256x2048xf32>
    %broadcast_in_dim3A_4 = vector.broadcast %jit3A_3 : f32 to vector<256x2048xf32>
    %select_n3A = arith.select %le3A, %broadcast_in_dim3A, %broadcast_in_dim3A_4 : vector<256x2048xi1>, vector<256x2048xf32>
    %get3A = arith.constant 0 : index
    %get3A_5 = arith.constant 0 : index
    %get3A_6 = vector.load %arg3[%get3A, %get3A_5] : memref<2048x128xf32, #tpu.memory_space<vmem>>, vector<2048x64xf32>
    %get3A_7 = arith.constant 0 : index
    %get3A_8 = arith.constant 0 : index
    %get3A_9 = vector.load %arg7[%get3A_7, %get3A_8] : memref<2048x64xf32, #tpu.memory_space<vmem>>, vector<2048x64xf32>
    %get3A_10 = arith.constant 0 : index
    %get3A_11 = arith.constant 0 : index
    %get3A_12 = vector.load %arg8[%get3A_10, %get3A_11] : memref<2048x64xf32, #tpu.memory_space<vmem>>, vector<2048x64xf32>
    %slice3A = vector.extract_strided_slice %get3A_6 {offsets = [0, 32], sizes = [2048, 32], strides = [1, 1]} : vector<2048x64xf32> to vector<2048x32xf32>
    %neg3A = arith.constant 0.000000e+00 : f32
    %neg3A_13 = vector.broadcast %neg3A : f32 to vector<2048x32xf32>
    %neg3A_14 = arith.subf %neg3A_13, %slice3A : vector<2048x32xf32>
    %slice3A_15 = vector.extract_strided_slice %get3A_6 {offsets = [0, 0], sizes = [2048, 32], strides = [1, 1]} : vector<2048x64xf32> to vector<2048x32xf32>
    %concatenate3A = tpu.concatenate %neg3A_14, %slice3A_15 in 1 : vector<2048x32xf32>, vector<2048x32xf32> -> vector<2048x64xf32>
    %mul3A_16 = arith.mulf %get3A_6, %get3A_9 : vector<2048x64xf32>
    %mul3A_17 = arith.mulf %concatenate3A, %get3A_12 : vector<2048x64xf32>
    %add3A_18 = arith.addf %mul3A_16, %mul3A_17 : vector<2048x64xf32>
    %get3A_19 = arith.constant 0 : index
    %get3A_20 = arith.constant 64 : index
    %get3A_21 = vector.load %arg3[%get3A_19, %get3A_20] : memref<2048x128xf32, #tpu.memory_space<vmem>>, vector<2048x64xf32>
    %get3A_22 = arith.constant 0 : index
    %get3A_23 = arith.constant 0 : index
    %get3A_24 = vector.load %arg7[%get3A_22, %get3A_23] : memref<2048x64xf32, #tpu.memory_space<vmem>>, vector<2048x64xf32>
    %get3A_25 = arith.constant 0 : index
    %get3A_26 = arith.constant 0 : index
    %get3A_27 = vector.load %arg8[%get3A_25, %get3A_26] : memref<2048x64xf32, #tpu.memory_space<vmem>>, vector<2048x64xf32>
    %slice3A_28 = vector.extract_strided_slice %get3A_21 {offsets = [0, 32], sizes = [2048, 32], strides = [1, 1]} : vector<2048x64xf32> to vector<2048x32xf32>
    %neg3A_29 = arith.constant 0.000000e+00 : f32
    %neg3A_30 = vector.broadcast %neg3A_29 : f32 to vector<2048x32xf32>
    %neg3A_31 = arith.subf %neg3A_30, %slice3A_28 : vector<2048x32xf32>
    %slice3A_32 = vector.extract_strided_slice %get3A_21 {offsets = [0, 0], sizes = [2048, 32], strides = [1, 1]} : vector<2048x64xf32> to vector<2048x32xf32>
    %concatenate3A_33 = tpu.concatenate %neg3A_31, %slice3A_32 in 1 : vector<2048x32xf32>, vector<2048x32xf32> -> vector<2048x64xf32>
    %mul3A_34 = arith.mulf %get3A_21, %get3A_24 : vector<2048x64xf32>
    %mul3A_35 = arith.mulf %concatenate3A_33, %get3A_27 : vector<2048x64xf32>
    %add3A_36 = arith.addf %mul3A_34, %mul3A_35 : vector<2048x64xf32>
    %get3A_37 = arith.constant 0 : index
    %get3A_38 = arith.constant 0 : index
    %get3A_39 = vector.load %arg2[%get3A_37, %get3A_38] : memref<256x256xf32, #tpu.memory_space<vmem>>, vector<256x64xf32>
    %get3A_40 = arith.constant 0 : index
    %get3A_41 = arith.constant 0 : index
    %get3A_42 = vector.load %arg5[%get3A_40, %get3A_41] : memref<256x64xf32, #tpu.memory_space<vmem>>, vector<256x64xf32>
    %get3A_43 = arith.constant 0 : index
    %get3A_44 = arith.constant 0 : index
    %get3A_45 = vector.load %arg6[%get3A_43, %get3A_44] : memref<256x64xf32, #tpu.memory_space<vmem>>, vector<256x64xf32>
    %slice3A_46 = vector.extract_strided_slice %get3A_39 {offsets = [0, 32], sizes = [256, 32], strides = [1, 1]} : vector<256x64xf32> to vector<256x32xf32>
    %neg3A_47 = arith.constant 0.000000e+00 : f32
    %neg3A_48 = vector.broadcast %neg3A_47 : f32 to vector<256x32xf32>
    %neg3A_49 = arith.subf %neg3A_48, %slice3A_46 : vector<256x32xf32>
    %slice3A_50 = vector.extract_strided_slice %get3A_39 {offsets = [0, 0], sizes = [256, 32], strides = [1, 1]} : vector<256x64xf32> to vector<256x32xf32>
    %concatenate3A_51 = tpu.concatenate %neg3A_49, %slice3A_50 in 1 : vector<256x32xf32>, vector<256x32xf32> -> vector<256x64xf32>
    %mul3A_52 = arith.mulf %get3A_39, %get3A_42 : vector<256x64xf32>
    %mul3A_53 = arith.mulf %concatenate3A_51, %get3A_45 : vector<256x64xf32>
    %add3A_54 = arith.addf %mul3A_52, %mul3A_53 : vector<256x64xf32>
    %dot_general3A = arith.constant dense<0.000000e+00> : vector<256x2048xf32>
    %dot_general3A_55 = tpu.matmul %add3A_54, %add3A_18, %dot_general3A {dimension_numbers = #tpu.dot_dimension_numbers<[1], [1], [0], [0], [0, 0, 1, 0], [], []>, transpose_lhs_hint = false} : vector<256x64xf32>, vector<2048x64xf32>, vector<256x2048xf32> -> vector<256x2048xf32>
    %mul3A_56 = arith.constant 1.250000e-01 : f32
    %mul3A_57 = vector.broadcast %mul3A_56 : f32 to vector<256x2048xf32>
    %mul3A_58 = arith.mulf %dot_general3A_55, %mul3A_57 : vector<256x2048xf32>
    %add3A_59 = arith.addf %mul3A_58, %select_n3A : vector<256x2048xf32>
    %reduce_max3A = arith.constant dense<0xFF800000> : vector<256xf32>
    %reduce_max3A_60 = vector.multi_reduction <maximumf>, %add3A_59, %reduce_max3A [1] : vector<256x2048xf32> to vector<256xf32>
    %broadcast_in_dim3A_61 = vector.shape_cast %reduce_max3A_60 : vector<256xf32> to vector<256x1xf32>
    %sub3A = vector.broadcast %broadcast_in_dim3A_61 : vector<256x1xf32> to vector<256x2048xf32>
    %sub3A_62 = arith.subf %add3A_59, %sub3A : vector<256x2048xf32>
    %exp3A = math.exp %sub3A_62 : vector<256x2048xf32>
    %reduce_sum3A = arith.constant dense<0.000000e+00> : vector<256xf32>
    %reduce_sum3A_63 = vector.multi_reduction <add>, %exp3A, %reduce_sum3A [1] : vector<256x2048xf32> to vector<256xf32>
    %broadcast_in_dim3A_64 = vector.shape_cast %reduce_sum3A_63 : vector<256xf32> to vector<256x1xf32>
    %div3A = vector.broadcast %broadcast_in_dim3A_64 : vector<256x1xf32> to vector<256x2048xf32>
    %div3A_65 = arith.divf %exp3A, %div3A : vector<256x2048xf32>
    %get3A_66 = arith.constant 0 : index
    %get3A_67 = arith.constant 0 : index
    %get3A_68 = vector.load %arg4[%get3A_66, %get3A_67] : memref<2048x128xf32, #tpu.memory_space<vmem>>, vector<2048x64xf32>
    %dot_general3A_69 = arith.constant dense<0.000000e+00> : vector<256x64xf32>
    %dot_general3A_70 = tpu.matmul %div3A_65, %get3A_68, %dot_general3A_69 {dimension_numbers = #tpu.dot_dimension_numbers<[1], [0], [0], [1], [0, 0, 1, 1], [], []>, transpose_lhs_hint = false} : vector<256x2048xf32>, vector<2048x64xf32>, vector<256x64xf32> -> vector<256x64xf32>
    %get3A_71 = arith.constant 0 : index
    %get3A_72 = arith.constant 64 : index
    %get3A_73 = vector.load %arg2[%get3A_71, %get3A_72] : memref<256x256xf32, #tpu.memory_space<vmem>>, vector<256x64xf32>
    %get3A_74 = arith.constant 0 : index
    %get3A_75 = arith.constant 0 : index
    %get3A_76 = vector.load %arg5[%get3A_74, %get3A_75] : memref<256x64xf32, #tpu.memory_space<vmem>>, vector<256x64xf32>
    %get3A_77 = arith.constant 0 : index
    %get3A_78 = arith.constant 0 : index
    %get3A_79 = vector.load %arg6[%get3A_77, %get3A_78] : memref<256x64xf32, #tpu.memory_space<vmem>>, vector<256x64xf32>
    %slice3A_80 = vector.extract_strided_slice %get3A_73 {offsets = [0, 32], sizes = [256, 32], strides = [1, 1]} : vector<256x64xf32> to vector<256x32xf32>
    %neg3A_81 = arith.constant 0.000000e+00 : f32
    %neg3A_82 = vector.broadcast %neg3A_81 : f32 to vector<256x32xf32>
    %neg3A_83 = arith.subf %neg3A_82, %slice3A_80 : vector<256x32xf32>
    %slice3A_84 = vector.extract_strided_slice %get3A_73 {offsets = [0, 0], sizes = [256, 32], strides = [1, 1]} : vector<256x64xf32> to vector<256x32xf32>
    %concatenate3A_85 = tpu.concatenate %neg3A_83, %slice3A_84 in 1 : vector<256x32xf32>, vector<256x32xf32> -> vector<256x64xf32>
    %mul3A_86 = arith.mulf %get3A_73, %get3A_76 : vector<256x64xf32>
    %mul3A_87 = arith.mulf %concatenate3A_85, %get3A_79 : vector<256x64xf32>
    %add3A_88 = arith.addf %mul3A_86, %mul3A_87 : vector<256x64xf32>
    %dot_general3A_89 = arith.constant dense<0.000000e+00> : vector<256x2048xf32>
    %dot_general3A_90 = tpu.matmul %add3A_88, %add3A_18, %dot_general3A_89 {dimension_numbers = #tpu.dot_dimension_numbers<[1], [1], [0], [0], [0, 0, 1, 0], [], []>, transpose_lhs_hint = false} : vector<256x64xf32>, vector<2048x64xf32>, vector<256x2048xf32> -> vector<256x2048xf32>
    %mul3A_91 = arith.constant 1.250000e-01 : f32
    %mul3A_92 = vector.broadcast %mul3A_91 : f32 to vector<256x2048xf32>
    %mul3A_93 = arith.mulf %dot_general3A_90, %mul3A_92 : vector<256x2048xf32>
    %add3A_94 = arith.addf %mul3A_93, %select_n3A : vector<256x2048xf32>
    %reduce_max3A_95 = arith.constant dense<0xFF800000> : vector<256xf32>
    %reduce_max3A_96 = vector.multi_reduction <maximumf>, %add3A_94, %reduce_max3A_95 [1] : vector<256x2048xf32> to vector<256xf32>
    %broadcast_in_dim3A_97 = vector.shape_cast %reduce_max3A_96 : vector<256xf32> to vector<256x1xf32>
    %sub3A_98 = vector.broadcast %broadcast_in_dim3A_97 : vector<256x1xf32> to vector<256x2048xf32>
    %sub3A_99 = arith.subf %add3A_94, %sub3A_98 : vector<256x2048xf32>
    %exp3A_100 = math.exp %sub3A_99 : vector<256x2048xf32>
    %reduce_sum3A_101 = arith.constant dense<0.000000e+00> : vector<256xf32>
    %reduce_sum3A_102 = vector.multi_reduction <add>, %exp3A_100, %reduce_sum3A_101 [1] : vector<256x2048xf32> to vector<256xf32>
    %broadcast_in_dim3A_103 = vector.shape_cast %reduce_sum3A_102 : vector<256xf32> to vector<256x1xf32>
    %div3A_104 = vector.broadcast %broadcast_in_dim3A_103 : vector<256x1xf32> to vector<256x2048xf32>
    %div3A_105 = arith.divf %exp3A_100, %div3A_104 : vector<256x2048xf32>
    %get3A_106 = arith.constant 0 : index
    %get3A_107 = arith.constant 0 : index
    %get3A_108 = vector.load %arg4[%get3A_106, %get3A_107] : memref<2048x128xf32, #tpu.memory_space<vmem>>, vector<2048x64xf32>
    %dot_general3A_109 = arith.constant dense<0.000000e+00> : vector<256x64xf32>
    %dot_general3A_110 = tpu.matmul %div3A_105, %get3A_108, %dot_general3A_109 {dimension_numbers = #tpu.dot_dimension_numbers<[1], [0], [0], [1], [0, 0, 1, 1], [], []>, transpose_lhs_hint = false} : vector<256x2048xf32>, vector<2048x64xf32>, vector<256x64xf32> -> vector<256x64xf32>
    %get3A_111 = arith.constant 0 : index
    %get3A_112 = arith.constant 128 : index
    %get3A_113 = vector.load %arg2[%get3A_111, %get3A_112] : memref<256x256xf32, #tpu.memory_space<vmem>>, vector<256x64xf32>
    %get3A_114 = arith.constant 0 : index
    %get3A_115 = arith.constant 0 : index
    %get3A_116 = vector.load %arg5[%get3A_114, %get3A_115] : memref<256x64xf32, #tpu.memory_space<vmem>>, vector<256x64xf32>
    %get3A_117 = arith.constant 0 : index
    %get3A_118 = arith.constant 0 : index
    %get3A_119 = vector.load %arg6[%get3A_117, %get3A_118] : memref<256x64xf32, #tpu.memory_space<vmem>>, vector<256x64xf32>
    %slice3A_120 = vector.extract_strided_slice %get3A_113 {offsets = [0, 32], sizes = [256, 32], strides = [1, 1]} : vector<256x64xf32> to vector<256x32xf32>
    %neg3A_121 = arith.constant 0.000000e+00 : f32
    %neg3A_122 = vector.broadcast %neg3A_121 : f32 to vector<256x32xf32>
    %neg3A_123 = arith.subf %neg3A_122, %slice3A_120 : vector<256x32xf32>
    %slice3A_124 = vector.extract_strided_slice %get3A_113 {offsets = [0, 0], sizes = [256, 32], strides = [1, 1]} : vector<256x64xf32> to vector<256x32xf32>
    %concatenate3A_125 = tpu.concatenate %neg3A_123, %slice3A_124 in 1 : vector<256x32xf32>, vector<256x32xf32> -> vector<256x64xf32>
    %mul3A_126 = arith.mulf %get3A_113, %get3A_116 : vector<256x64xf32>
    %mul3A_127 = arith.mulf %concatenate3A_125, %get3A_119 : vector<256x64xf32>
    %add3A_128 = arith.addf %mul3A_126, %mul3A_127 : vector<256x64xf32>
    %dot_general3A_129 = arith.constant dense<0.000000e+00> : vector<256x2048xf32>
    %dot_general3A_130 = tpu.matmul %add3A_128, %add3A_36, %dot_general3A_129 {dimension_numbers = #tpu.dot_dimension_numbers<[1], [1], [0], [0], [0, 0, 1, 0], [], []>, transpose_lhs_hint = false} : vector<256x64xf32>, vector<2048x64xf32>, vector<256x2048xf32> -> vector<256x2048xf32>
    %mul3A_131 = arith.constant 1.250000e-01 : f32
    %mul3A_132 = vector.broadcast %mul3A_131 : f32 to vector<256x2048xf32>
    %mul3A_133 = arith.mulf %dot_general3A_130, %mul3A_132 : vector<256x2048xf32>
    %add3A_134 = arith.addf %mul3A_133, %select_n3A : vector<256x2048xf32>
    %reduce_max3A_135 = arith.constant dense<0xFF800000> : vector<256xf32>
    %reduce_max3A_136 = vector.multi_reduction <maximumf>, %add3A_134, %reduce_max3A_135 [1] : vector<256x2048xf32> to vector<256xf32>
    %broadcast_in_dim3A_137 = vector.shape_cast %reduce_max3A_136 : vector<256xf32> to vector<256x1xf32>
    %sub3A_138 = vector.broadcast %broadcast_in_dim3A_137 : vector<256x1xf32> to vector<256x2048xf32>
    %sub3A_139 = arith.subf %add3A_134, %sub3A_138 : vector<256x2048xf32>
    %exp3A_140 = math.exp %sub3A_139 : vector<256x2048xf32>
    %reduce_sum3A_141 = arith.constant dense<0.000000e+00> : vector<256xf32>
    %reduce_sum3A_142 = vector.multi_reduction <add>, %exp3A_140, %reduce_sum3A_141 [1] : vector<256x2048xf32> to vector<256xf32>
    %broadcast_in_dim3A_143 = vector.shape_cast %reduce_sum3A_142 : vector<256xf32> to vector<256x1xf32>
    %div3A_144 = vector.broadcast %broadcast_in_dim3A_143 : vector<256x1xf32> to vector<256x2048xf32>
    %div3A_145 = arith.divf %exp3A_140, %div3A_144 : vector<256x2048xf32>
    %get3A_146 = arith.constant 0 : index
    %get3A_147 = arith.constant 64 : index
    %get3A_148 = vector.load %arg4[%get3A_146, %get3A_147] : memref<2048x128xf32, #tpu.memory_space<vmem>>, vector<2048x64xf32>
    %dot_general3A_149 = arith.constant dense<0.000000e+00> : vector<256x64xf32>
    %dot_general3A_150 = tpu.matmul %div3A_145, %get3A_148, %dot_general3A_149 {dimension_numbers = #tpu.dot_dimension_numbers<[1], [0], [0], [1], [0, 0, 1, 1], [], []>, transpose_lhs_hint = false} : vector<256x2048xf32>, vector<2048x64xf32>, vector<256x64xf32> -> vector<256x64xf32>
    %get3A_151 = arith.constant 0 : index
    %get3A_152 = arith.constant 192 : index
    %get3A_153 = vector.load %arg2[%get3A_151, %get3A_152] : memref<256x256xf32, #tpu.memory_space<vmem>>, vector<256x64xf32>
    %get3A_154 = arith.constant 0 : index
    %get3A_155 = arith.constant 0 : index
    %get3A_156 = vector.load %arg5[%get3A_154, %get3A_155] : memref<256x64xf32, #tpu.memory_space<vmem>>, vector<256x64xf32>
    %get3A_157 = arith.constant 0 : index
    %get3A_158 = arith.constant 0 : index
    %get3A_159 = vector.load %arg6[%get3A_157, %get3A_158] : memref<256x64xf32, #tpu.memory_space<vmem>>, vector<256x64xf32>
    %slice3A_160 = vector.extract_strided_slice %get3A_153 {offsets = [0, 32], sizes = [256, 32], strides = [1, 1]} : vector<256x64xf32> to vector<256x32xf32>
    %neg3A_161 = arith.constant 0.000000e+00 : f32
    %neg3A_162 = vector.broadcast %neg3A_161 : f32 to vector<256x32xf32>
    %neg3A_163 = arith.subf %neg3A_162, %slice3A_160 : vector<256x32xf32>
    %slice3A_164 = vector.extract_strided_slice %get3A_153 {offsets = [0, 0], sizes = [256, 32], strides = [1, 1]} : vector<256x64xf32> to vector<256x32xf32>
    %concatenate3A_165 = tpu.concatenate %neg3A_163, %slice3A_164 in 1 : vector<256x32xf32>, vector<256x32xf32> -> vector<256x64xf32>
    %mul3A_166 = arith.mulf %get3A_153, %get3A_156 : vector<256x64xf32>
    %mul3A_167 = arith.mulf %concatenate3A_165, %get3A_159 : vector<256x64xf32>
    %add3A_168 = arith.addf %mul3A_166, %mul3A_167 : vector<256x64xf32>
    %dot_general3A_169 = arith.constant dense<0.000000e+00> : vector<256x2048xf32>
    %dot_general3A_170 = tpu.matmul %add3A_168, %add3A_36, %dot_general3A_169 {dimension_numbers = #tpu.dot_dimension_numbers<[1], [1], [0], [0], [0, 0, 1, 0], [], []>, transpose_lhs_hint = false} : vector<256x64xf32>, vector<2048x64xf32>, vector<256x2048xf32> -> vector<256x2048xf32>
    %mul3A_171 = arith.constant 1.250000e-01 : f32
    %mul3A_172 = vector.broadcast %mul3A_171 : f32 to vector<256x2048xf32>
    %mul3A_173 = arith.mulf %dot_general3A_170, %mul3A_172 : vector<256x2048xf32>
    %add3A_174 = arith.addf %mul3A_173, %select_n3A : vector<256x2048xf32>
    %reduce_max3A_175 = arith.constant dense<0xFF800000> : vector<256xf32>
    %reduce_max3A_176 = vector.multi_reduction <maximumf>, %add3A_174, %reduce_max3A_175 [1] : vector<256x2048xf32> to vector<256xf32>
    %broadcast_in_dim3A_177 = vector.shape_cast %reduce_max3A_176 : vector<256xf32> to vector<256x1xf32>
    %sub3A_178 = vector.broadcast %broadcast_in_dim3A_177 : vector<256x1xf32> to vector<256x2048xf32>
    %sub3A_179 = arith.subf %add3A_174, %sub3A_178 : vector<256x2048xf32>
    %exp3A_180 = math.exp %sub3A_179 : vector<256x2048xf32>
    %reduce_sum3A_181 = arith.constant dense<0.000000e+00> : vector<256xf32>
    %reduce_sum3A_182 = vector.multi_reduction <add>, %exp3A_180, %reduce_sum3A_181 [1] : vector<256x2048xf32> to vector<256xf32>
    %broadcast_in_dim3A_183 = vector.shape_cast %reduce_sum3A_182 : vector<256xf32> to vector<256x1xf32>
    %div3A_184 = vector.broadcast %broadcast_in_dim3A_183 : vector<256x1xf32> to vector<256x2048xf32>
    %div3A_185 = arith.divf %exp3A_180, %div3A_184 : vector<256x2048xf32>
    %get3A_186 = arith.constant 0 : index
    %get3A_187 = arith.constant 64 : index
    %get3A_188 = vector.load %arg4[%get3A_186, %get3A_187] : memref<2048x128xf32, #tpu.memory_space<vmem>>, vector<2048x64xf32>
    %dot_general3A_189 = arith.constant dense<0.000000e+00> : vector<256x64xf32>
    %dot_general3A_190 = tpu.matmul %div3A_185, %get3A_188, %dot_general3A_189 {dimension_numbers = #tpu.dot_dimension_numbers<[1], [0], [0], [1], [0, 0, 1, 1], [], []>, transpose_lhs_hint = false} : vector<256x2048xf32>, vector<2048x64xf32>, vector<256x64xf32> -> vector<256x64xf32>
    %concatenate3A_191 = tpu.concatenate %dot_general3A_70, %dot_general3A_110, %dot_general3A_150, %dot_general3A_190 in 1 : vector<256x64xf32>, vector<256x64xf32>, vector<256x64xf32>, vector<256x64xf32> -> vector<256x256xf32>
    %swap3A = arith.constant 0 : index
    %swap3A_192 = arith.constant 0 : index
    %swap3A_193 = vector.load %arg9[%swap3A, %swap3A_192] : memref<256x256xf32, #tpu.memory_space<vmem>>, vector<256x256xf32>
    tpu.vector_store %arg9[%swap3A, %swap3A_192], %concatenate3A_191 {strides = array<i32>} : memref<256x256xf32, #tpu.memory_space<vmem>>, vector<256x256xf32>,
    return
  }
  func.func @transform_0(%arg0: i32, %arg1: i32) -> (i32, i32) {
    %c0_i32 = arith.constant 0 : i32
    return %arg1, %arg0 : i32, i32
  }
  func.func @transform_1(%arg0: i32, %arg1: i32) -> (i32, i32) {
    %c0_i32 = arith.constant 0 : i32
    %c0_i32_0 = arith.constant 0 : i32
    return %c0_i32, %arg0 : i32, i32
  }
  func.func @transform_2(%arg0: i32, %arg1: i32) -> (i32, i32) {
    %c0_i32 = arith.constant 0 : i32
    %c0_i32_0 = arith.constant 0 : i32
    return %c0_i32, %arg0 : i32, i32
  }
  func.func @transform_3(%arg0: i32, %arg1: i32) -> (i32, i32) {
    %c0_i32 = arith.constant 0 : i32
    %c0_i32_0 = arith.constant 0 : i32
    return %arg1, %c0_i32 : i32, i32
  }
  func.func @transform_4(%arg0: i32, %arg1: i32) -> (i32, i32) {
    %c0_i32 = arith.constant 0 : i32
    %c0_i32_0 = arith.constant 0 : i32
    return %arg1, %c0_i32 : i32, i32
  }
  func.func @transform_5(%arg0: i32, %arg1: i32) -> (i32, i32) {
    %c0_i32 = arith.constant 0 : i32
    %c0_i32_0 = arith.constant 0 : i32
    %c0_i32_1 = arith.constant 0 : i32
    return %c0_i32, %c0_i32_0 : i32, i32
  }
  func.func @transform_6(%arg0: i32, %arg1: i32) -> (i32, i32) {
    %c0_i32 = arith.constant 0 : i32
    %c0_i32_0 = arith.constant 0 : i32
    %c0_i32_1 = arith.constant 0 : i32
    return %c0_i32, %c0_i32_0 : i32, i32
  }
  func.func @transform_7(%arg0: i32, %arg1: i32) -> (i32, i32) {
    %c0_i32 = arith.constant 0 : i32
    return %arg1, %arg0 : i32, i32
  }
}

module attributes {stable_mosaic.version = 14 : i64} {
  func.func @_outproj_body(%arg0: i32, %arg1: memref<256x1024xf32, #tpu.memory_space<vmem>>, %arg2: memref<256x1024xf32, #tpu.memory_space<vmem>>, %arg3: memref<1x1024x1024xf32, #tpu.memory_space<vmem>>, %arg4: memref<256x1024xf32, #tpu.memory_space<vmem>>) attributes {dimension_semantics = [#tpu.dimension_semantics<arbitrary>], iteration_bounds = array<i64: 8>, scalar_prefetch = 0 : i64, scratch_operands = 0 : i64, tpu.core_type = #tpu.core_type<tc>, window_params = [{transform_indices = @transform_0, window_bounds = array<i64: 256, 1024>}, {transform_indices = @transform_1, window_bounds = array<i64: 256, 1024>}, {transform_indices = @transform_2, window_bounds = array<i64: 1, 1024, 1024>}, {transform_indices = @transform_3, window_bounds = array<i64: 256, 1024>}]} {
    %get3A = arith.constant 0 : index
    %get3A_0 = arith.constant 0 : index
    %get3A_1 = vector.load %arg1[%get3A, %get3A_0] : memref<256x1024xf32, #tpu.memory_space<vmem>>, vector<256x1024xf32>
    %get3A_2 = arith.constant 0 : index
    %get3A_3 = arith.constant 0 : index
    %get3A_4 = vector.load %arg2[%get3A_2, %get3A_3] : memref<256x1024xf32, #tpu.memory_space<vmem>>, vector<256x1024xf32>
    %get3A_5 = arith.constant 0 : index
    %get3A_6 = arith.constant 0 : index
    %get3A_7 = arith.constant 0 : index
    %get3A_8 = vector.load %arg3[%get3A_5, %get3A_6, %get3A_7] : memref<1x1024x1024xf32, #tpu.memory_space<vmem>>, vector<1x1024x1024xf32>
    %get3A_9 = vector.shape_cast %get3A_8 : vector<1x1024x1024xf32> to vector<1024x1024xf32>
    %dot_general3A = arith.constant dense<0.000000e+00> : vector<256x1024xf32>
    %dot_general3A_10 = tpu.matmul %get3A_4, %get3A_9, %dot_general3A {dimension_numbers = #tpu.dot_dimension_numbers<[1], [0], [0], [1], [0, 0, 1, 1], [], []>, transpose_lhs_hint = false} : vector<256x1024xf32>, vector<1024x1024xf32>, vector<256x1024xf32> -> vector<256x1024xf32>
    %add3A = arith.addf %get3A_1, %dot_general3A_10 : vector<256x1024xf32>
    %swap3A = arith.constant 0 : index
    %swap3A_11 = arith.constant 0 : index
    %swap3A_12 = vector.load %arg4[%swap3A, %swap3A_11] : memref<256x1024xf32, #tpu.memory_space<vmem>>, vector<256x1024xf32>
    tpu.vector_store %arg4[%swap3A, %swap3A_11], %add3A {strides = array<i32>} : memref<256x1024xf32, #tpu.memory_space<vmem>>, vector<256x1024xf32>,
    return
  }
  func.func @transform_0(%arg0: i32) -> (i32, i32) {
    %c0_i32 = arith.constant 0 : i32
    %c0_i32_0 = arith.constant 0 : i32
    return %arg0, %c0_i32 : i32, i32
  }
  func.func @transform_1(%arg0: i32) -> (i32, i32) {
    %c0_i32 = arith.constant 0 : i32
    %c0_i32_0 = arith.constant 0 : i32
    return %arg0, %c0_i32 : i32, i32
  }
  func.func @transform_2(%arg0: i32) -> (i32, i32, i32) {
    %c0_i32 = arith.constant 0 : i32
    %c0_i32_0 = arith.constant 0 : i32
    %c0_i32_1 = arith.constant 0 : i32
    %c0_i32_2 = arith.constant 0 : i32
    return %c0_i32, %c0_i32_0, %c0_i32_1 : i32, i32, i32
  }
  func.func @transform_3(%arg0: i32) -> (i32, i32) {
    %c0_i32 = arith.constant 0 : i32
    %c0_i32_0 = arith.constant 0 : i32
    return %arg0, %c0_i32 : i32, i32
  }
}

module attributes {stable_mosaic.version = 14 : i64} {
  func.func @_router_body(%arg0: i32, %arg1: memref<256x1024xf32, #tpu.memory_space<vmem>>, %arg2: memref<1x1x1024xf32, #tpu.memory_space<vmem>>, %arg3: memref<1x1024x128xf32, #tpu.memory_space<vmem>>, %arg4: memref<256x1024xf32, #tpu.memory_space<vmem>>, %arg5: memref<256x128xi32, #tpu.memory_space<vmem>>, %arg6: memref<256x128xf32, #tpu.memory_space<vmem>>) attributes {dimension_semantics = [#tpu.dimension_semantics<arbitrary>], iteration_bounds = array<i64: 8>, scalar_prefetch = 0 : i64, scratch_operands = 0 : i64, tpu.core_type = #tpu.core_type<tc>, window_params = [{transform_indices = @transform_0, window_bounds = array<i64: 256, 1024>}, {transform_indices = @transform_1, window_bounds = array<i64: 1, 1, 1024>}, {transform_indices = @transform_2, window_bounds = array<i64: 1, 1024, 128>}, {transform_indices = @transform_3, window_bounds = array<i64: 256, 1024>}, {transform_indices = @transform_4, window_bounds = array<i64: 256, 128>}, {transform_indices = @transform_5, window_bounds = array<i64: 256, 128>}]} {
    %get3A = arith.constant 0 : index
    %get3A_0 = arith.constant 0 : index
    %get3A_1 = vector.load %arg1[%get3A, %get3A_0] : memref<256x1024xf32, #tpu.memory_space<vmem>>, vector<256x1024xf32>
    %get3A_2 = arith.constant 0 : index
    %get3A_3 = arith.constant 0 : index
    %get3A_4 = arith.constant 0 : index
    %get3A_5 = vector.load %arg2[%get3A_2, %get3A_3, %get3A_4] : memref<1x1x1024xf32, #tpu.memory_space<vmem>>, vector<1x1x1024xf32>
    %get3A_6 = vector.shape_cast %get3A_5 : vector<1x1x1024xf32> to vector<1x1024xf32>
    %mul3A = arith.mulf %get3A_1, %get3A_1 : vector<256x1024xf32>
    %reduce_sum3A = arith.constant dense<0.000000e+00> : vector<256xf32>
    %reduce_sum3A_7 = vector.multi_reduction <add>, %mul3A, %reduce_sum3A [1] : vector<256x1024xf32> to vector<256xf32>
    %broadcast_in_dim3A = vector.shape_cast %reduce_sum3A_7 : vector<256xf32> to vector<256x1xf32>
    %div3A = arith.constant 1.024000e+03 : f32
    %div3A_8 = vector.broadcast %div3A : f32 to vector<256x1xf32>
    %div3A_9 = arith.divf %broadcast_in_dim3A, %div3A_8 : vector<256x1xf32>
    %add3A = arith.constant 9.99999974E-6 : f32
    %add3A_10 = vector.broadcast %add3A : f32 to vector<256x1xf32>
    %add3A_11 = arith.addf %div3A_9, %add3A_10 : vector<256x1xf32>
    %rsqrt3A = math.rsqrt %add3A_11 : vector<256x1xf32>
    %mul3A_12 = vector.broadcast %rsqrt3A : vector<256x1xf32> to vector<256x1024xf32>
    %mul3A_13 = arith.mulf %get3A_1, %mul3A_12 : vector<256x1024xf32>
    %mul3A_14 = vector.broadcast %get3A_6 : vector<1x1024xf32> to vector<256x1024xf32>
    %mul3A_15 = arith.mulf %mul3A_13, %mul3A_14 : vector<256x1024xf32>
    %swap3A = arith.constant 0 : index
    %swap3A_16 = arith.constant 0 : index
    %swap3A_17 = vector.load %arg4[%swap3A, %swap3A_16] : memref<256x1024xf32, #tpu.memory_space<vmem>>, vector<256x1024xf32>
    tpu.vector_store %arg4[%swap3A, %swap3A_16], %mul3A_15 {strides = array<i32>} : memref<256x1024xf32, #tpu.memory_space<vmem>>, vector<256x1024xf32>,
    %get3A_18 = arith.constant 0 : index
    %get3A_19 = arith.constant 0 : index
    %get3A_20 = arith.constant 0 : index
    %get3A_21 = vector.load %arg3[%get3A_18, %get3A_19, %get3A_20] : memref<1x1024x128xf32, #tpu.memory_space<vmem>>, vector<1x1024x128xf32>
    %get3A_22 = vector.shape_cast %get3A_21 : vector<1x1024x128xf32> to vector<1024x128xf32>
    %dot_general3A = arith.constant dense<0.000000e+00> : vector<256x128xf32>
    %dot_general3A_23 = tpu.matmul %mul3A_15, %get3A_22, %dot_general3A {dimension_numbers = #tpu.dot_dimension_numbers<[1], [0], [0], [1], [0, 0, 1, 1], [], []>, transpose_lhs_hint = false} : vector<256x1024xf32>, vector<1024x128xf32>, vector<256x128xf32> -> vector<256x128xf32>
    %iota3A = tpu.iota {dimensions = array<i32: 1>} : vector<256x128xi32>
    %lt3A = arith.constant 8 : i32
    %lt3A_24 = vector.broadcast %lt3A : i32 to vector<256x128xi32>
    %lt3A_25 = arith.cmpi slt, %iota3A, %lt3A_24 : vector<256x128xi32>
    %jit3A = arith.constant -1.000000e+30 : f32
    %broadcast_in_dim3A_26 = vector.broadcast %jit3A : f32 to vector<256x128xf32>
    %select_n3A = arith.select %lt3A_25, %dot_general3A_23, %broadcast_in_dim3A_26 : vector<256x128xi1>, vector<256x128xf32>
    %reduce_max3A = arith.constant dense<0xFF800000> : vector<256xf32>
    %reduce_max3A_27 = vector.multi_reduction <maximumf>, %select_n3A, %reduce_max3A [1] : vector<256x128xf32> to vector<256xf32>
    %broadcast_in_dim3A_28 = vector.shape_cast %reduce_max3A_27 : vector<256xf32> to vector<256x1xf32>
    %sub3A = vector.broadcast %broadcast_in_dim3A_28 : vector<256x1xf32> to vector<256x128xf32>
    %sub3A_29 = arith.subf %select_n3A, %sub3A : vector<256x128xf32>
    %exp3A = math.exp %sub3A_29 : vector<256x128xf32>
    %reduce_sum3A_30 = arith.constant dense<0.000000e+00> : vector<256xf32>
    %reduce_sum3A_31 = vector.multi_reduction <add>, %exp3A, %reduce_sum3A_30 [1] : vector<256x128xf32> to vector<256xf32>
    %broadcast_in_dim3A_32 = vector.shape_cast %reduce_sum3A_31 : vector<256xf32> to vector<256x1xf32>
    %div3A_33 = vector.broadcast %broadcast_in_dim3A_32 : vector<256x1xf32> to vector<256x128xf32>
    %div3A_34 = arith.divf %exp3A, %div3A_33 : vector<256x128xf32>
    %reduce_max3A_35 = arith.constant dense<0xFF800000> : vector<256xf32>
    %reduce_max3A_36 = vector.multi_reduction <maximumf>, %div3A_34, %reduce_max3A_35 [1] : vector<256x128xf32> to vector<256xf32>
    %broadcast_in_dim3A_37 = vector.shape_cast %reduce_max3A_36 : vector<256xf32> to vector<256x1xf32>
    %eq3A = vector.broadcast %broadcast_in_dim3A_37 : vector<256x1xf32> to vector<256x128xf32>
    %eq3A_38 = arith.cmpf oeq, %div3A_34, %eq3A : vector<256x128xf32>
    %jit3A_39 = arith.constant 9999 : i32
    %broadcast_in_dim3A_40 = vector.broadcast %jit3A_39 : i32 to vector<256x128xi32>
    %select_n3A_41 = arith.select %eq3A_38, %iota3A, %broadcast_in_dim3A_40 : vector<256x128xi1>, vector<256x128xi32>
    %reduce_min3A = arith.constant dense<2147483647> : vector<256xi32>
    %reduce_min3A_42 = vector.multi_reduction <minsi>, %select_n3A_41, %reduce_min3A [1] : vector<256x128xi32> to vector<256xi32>
    %broadcast_in_dim3A_43 = vector.shape_cast %reduce_min3A_42 : vector<256xi32> to vector<256x1xi32>
    %eq3A_44 = vector.broadcast %broadcast_in_dim3A_43 : vector<256x1xi32> to vector<256x128xi32>
    %eq3A_45 = arith.cmpi eq, %iota3A, %eq3A_44 : vector<256x128xi32>
    %jit3A_46 = arith.constant -1.000000e+00 : f32
    %broadcast_in_dim3A_47 = vector.broadcast %jit3A_46 : f32 to vector<256x128xf32>
    %select_n3A_48 = arith.select %eq3A_45, %broadcast_in_dim3A_47, %div3A_34 : vector<256x128xi1>, vector<256x128xf32>
    %reduce_max3A_49 = arith.constant dense<0xFF800000> : vector<256xf32>
    %reduce_max3A_50 = vector.multi_reduction <maximumf>, %select_n3A_48, %reduce_max3A_49 [1] : vector<256x128xf32> to vector<256xf32>
    %broadcast_in_dim3A_51 = vector.shape_cast %reduce_max3A_50 : vector<256xf32> to vector<256x1xf32>
    %eq3A_52 = vector.broadcast %broadcast_in_dim3A_51 : vector<256x1xf32> to vector<256x128xf32>
    %eq3A_53 = arith.cmpf oeq, %select_n3A_48, %eq3A_52 : vector<256x128xf32>
    %jit3A_54 = arith.constant 9999 : i32
    %broadcast_in_dim3A_55 = vector.broadcast %jit3A_54 : i32 to vector<256x128xi32>
    %select_n3A_56 = arith.select %eq3A_53, %iota3A, %broadcast_in_dim3A_55 : vector<256x128xi1>, vector<256x128xi32>
    %reduce_min3A_57 = arith.constant dense<2147483647> : vector<256xi32>
    %reduce_min3A_58 = vector.multi_reduction <minsi>, %select_n3A_56, %reduce_min3A_57 [1] : vector<256x128xi32> to vector<256xi32>
    %broadcast_in_dim3A_59 = vector.shape_cast %reduce_min3A_58 : vector<256xi32> to vector<256x1xi32>
    %add3A_60 = arith.addf %broadcast_in_dim3A_37, %broadcast_in_dim3A_51 : vector<256x1xf32>
    %eq3A_61 = arith.constant 0 : i32
    %eq3A_62 = vector.broadcast %eq3A_61 : i32 to vector<256x128xi32>
    %eq3A_63 = arith.cmpi eq, %iota3A, %eq3A_62 : vector<256x128xi32>
    %eq3A_64 = arith.constant 1 : i32
    %eq3A_65 = vector.broadcast %eq3A_64 : i32 to vector<256x128xi32>
    %eq3A_66 = arith.cmpi eq, %iota3A, %eq3A_65 : vector<256x128xi32>
    %jit3A_67 = arith.constant 0 : i32
    %broadcast_in_dim3A_68 = vector.shape_cast %broadcast_in_dim3A_59 : vector<256x1xi32> to vector<256x1xi32>
    %broadcast_in_dim3A_69 = vector.broadcast %broadcast_in_dim3A_68 : vector<256x1xi32> to vector<256x128xi32>
    %broadcast_in_dim3A_70 = vector.broadcast %jit3A_67 : i32 to vector<256x128xi32>
    %select_n3A_71 = arith.select %eq3A_66, %broadcast_in_dim3A_69, %broadcast_in_dim3A_70 : vector<256x128xi1>, vector<256x128xi32>
    %broadcast_in_dim3A_72 = vector.shape_cast %broadcast_in_dim3A_43 : vector<256x1xi32> to vector<256x1xi32>
    %broadcast_in_dim3A_73 = vector.broadcast %broadcast_in_dim3A_72 : vector<256x1xi32> to vector<256x128xi32>
    %select_n3A_74 = arith.select %eq3A_63, %broadcast_in_dim3A_73, %select_n3A_71 : vector<256x128xi1>, vector<256x128xi32>
    %swap3A_75 = arith.constant 0 : index
    %swap3A_76 = arith.constant 0 : index
    %swap3A_77 = vector.load %arg5[%swap3A_75, %swap3A_76] : memref<256x128xi32, #tpu.memory_space<vmem>>, vector<256x128xi32>
    tpu.vector_store %arg5[%swap3A_75, %swap3A_76], %select_n3A_74 {strides = array<i32>} : memref<256x128xi32, #tpu.memory_space<vmem>>, vector<256x128xi32>,
    %eq3A_78 = arith.constant 0 : i32
    %eq3A_79 = vector.broadcast %eq3A_78 : i32 to vector<256x128xi32>
    %eq3A_80 = arith.cmpi eq, %iota3A, %eq3A_79 : vector<256x128xi32>
    %div3A_81 = arith.divf %broadcast_in_dim3A_37, %add3A_60 : vector<256x1xf32>
    %eq3A_82 = arith.constant 1 : i32
    %eq3A_83 = vector.broadcast %eq3A_82 : i32 to vector<256x128xi32>
    %eq3A_84 = arith.cmpi eq, %iota3A, %eq3A_83 : vector<256x128xi32>
    %div3A_85 = arith.divf %broadcast_in_dim3A_51, %add3A_60 : vector<256x1xf32>
    %jit3A_86 = arith.constant 0.000000e+00 : f32
    %broadcast_in_dim3A_87 = vector.shape_cast %div3A_85 : vector<256x1xf32> to vector<256x1xf32>
    %broadcast_in_dim3A_88 = vector.broadcast %broadcast_in_dim3A_87 : vector<256x1xf32> to vector<256x128xf32>
    %broadcast_in_dim3A_89 = vector.broadcast %jit3A_86 : f32 to vector<256x128xf32>
    %select_n3A_90 = arith.select %eq3A_84, %broadcast_in_dim3A_88, %broadcast_in_dim3A_89 : vector<256x128xi1>, vector<256x128xf32>
    %broadcast_in_dim3A_91 = vector.shape_cast %div3A_81 : vector<256x1xf32> to vector<256x1xf32>
    %broadcast_in_dim3A_92 = vector.broadcast %broadcast_in_dim3A_91 : vector<256x1xf32> to vector<256x128xf32>
    %select_n3A_93 = arith.select %eq3A_80, %broadcast_in_dim3A_92, %select_n3A_90 : vector<256x128xi1>, vector<256x128xf32>
    %swap3A_94 = arith.constant 0 : index
    %swap3A_95 = arith.constant 0 : index
    %swap3A_96 = vector.load %arg6[%swap3A_94, %swap3A_95] : memref<256x128xf32, #tpu.memory_space<vmem>>, vector<256x128xf32>
    tpu.vector_store %arg6[%swap3A_94, %swap3A_95], %select_n3A_93 {strides = array<i32>} : memref<256x128xf32, #tpu.memory_space<vmem>>, vector<256x128xf32>,
    return
  }
  func.func @transform_0(%arg0: i32) -> (i32, i32) {
    %c0_i32 = arith.constant 0 : i32
    %c0_i32_0 = arith.constant 0 : i32
    return %arg0, %c0_i32 : i32, i32
  }
  func.func @transform_1(%arg0: i32) -> (i32, i32, i32) {
    %c0_i32 = arith.constant 0 : i32
    %c0_i32_0 = arith.constant 0 : i32
    %c0_i32_1 = arith.constant 0 : i32
    %c0_i32_2 = arith.constant 0 : i32
    return %c0_i32, %c0_i32_0, %c0_i32_1 : i32, i32, i32
  }
  func.func @transform_2(%arg0: i32) -> (i32, i32, i32) {
    %c0_i32 = arith.constant 0 : i32
    %c0_i32_0 = arith.constant 0 : i32
    %c0_i32_1 = arith.constant 0 : i32
    %c0_i32_2 = arith.constant 0 : i32
    return %c0_i32, %c0_i32_0, %c0_i32_1 : i32, i32, i32
  }
  func.func @transform_3(%arg0: i32) -> (i32, i32) {
    %c0_i32 = arith.constant 0 : i32
    %c0_i32_0 = arith.constant 0 : i32
    return %arg0, %c0_i32 : i32, i32
  }
  func.func @transform_4(%arg0: i32) -> (i32, i32) {
    %c0_i32 = arith.constant 0 : i32
    %c0_i32_0 = arith.constant 0 : i32
    return %arg0, %c0_i32 : i32, i32
  }
  func.func @transform_5(%arg0: i32) -> (i32, i32) {
    %c0_i32 = arith.constant 0 : i32
    %c0_i32_0 = arith.constant 0 : i32
    return %arg0, %c0_i32 : i32, i32
  }
}

module attributes {stable_mosaic.version = 14 : i64} {
  func.func @_add3_body(%arg0: i32, %arg1: memref<256x1024xf32, #tpu.memory_space<vmem>>, %arg2: memref<6144x1024xf32, #tpu.memory_space<vmem>>, %arg3: memref<256x1xi32, #tpu.memory_space<vmem>>, %arg4: memref<256x1xi32, #tpu.memory_space<vmem>>, %arg5: memref<256x1024xf32, #tpu.memory_space<vmem>>) attributes {dimension_semantics = [#tpu.dimension_semantics<arbitrary>], iteration_bounds = array<i64: 8>, scalar_prefetch = 0 : i64, scratch_operands = 0 : i64, tpu.core_type = #tpu.core_type<tc>, window_params = [{transform_indices = @transform_0, window_bounds = array<i64: 256, 1024>}, {pipeline_mode = #tpu.pipeline_mode<synchronous>, transform_indices = @transform_1, window_bounds = array<i64: 6144, 1024>}, {transform_indices = @transform_2, window_bounds = array<i64: 256, 1>}, {transform_indices = @transform_3, window_bounds = array<i64: 256, 1>}, {transform_indices = @transform_4, window_bounds = array<i64: 256, 1024>}]} {
    %iota3A = tpu.iota {dimensions = array<i32: 1>} : vector<256x6144xi32>
    %get3A = arith.constant 0 : index
    %get3A_0 = arith.constant 0 : index
    %get3A_1 = vector.load %arg3[%get3A, %get3A_0] : memref<256x1xi32, #tpu.memory_space<vmem>>, vector<256x1xi32>
    %eq3A = vector.broadcast %get3A_1 : vector<256x1xi32> to vector<256x6144xi32>
    %eq3A_2 = arith.cmpi eq, %iota3A, %eq3A : vector<256x6144xi32>
    %get3A_3 = arith.constant 0 : index
    %get3A_4 = arith.constant 0 : index
    %get3A_5 = vector.load %arg4[%get3A_3, %get3A_4] : memref<256x1xi32, #tpu.memory_space<vmem>>, vector<256x1xi32>
    %eq3A_6 = vector.broadcast %get3A_5 : vector<256x1xi32> to vector<256x6144xi32>
    %eq3A_7 = arith.cmpi eq, %iota3A, %eq3A_6 : vector<256x6144xi32>
    %or3A = arith.ori %eq3A_2, %eq3A_7 : vector<256x6144xi1>
    %convert_element_type3A = arith.extui %or3A : vector<256x6144xi1> to vector<256x6144xi32>
    %convert_element_type3A_8 = arith.sitofp %convert_element_type3A : vector<256x6144xi32> to vector<256x6144xf32>
    %get3A_9 = arith.constant 0 : index
    %get3A_10 = arith.constant 0 : index
    %get3A_11 = vector.load %arg1[%get3A_9, %get3A_10] : memref<256x1024xf32, #tpu.memory_space<vmem>>, vector<256x1024xf32>
    %get3A_12 = arith.constant 0 : index
    %get3A_13 = arith.constant 0 : index
    %get3A_14 = vector.load %arg2[%get3A_12, %get3A_13] : memref<6144x1024xf32, #tpu.memory_space<vmem>>, vector<6144x1024xf32>
    %dot_general3A = arith.constant dense<0.000000e+00> : vector<256x1024xf32>
    %dot_general3A_15 = tpu.matmul %convert_element_type3A_8, %get3A_14, %dot_general3A {dimension_numbers = #tpu.dot_dimension_numbers<[1], [0], [0], [1], [0, 0, 1, 1], [], []>, transpose_lhs_hint = false} : vector<256x6144xf32>, vector<6144x1024xf32>, vector<256x1024xf32> -> vector<256x1024xf32>
    %add3A = arith.addf %get3A_11, %dot_general3A_15 : vector<256x1024xf32>
    %swap3A = arith.constant 0 : index
    %swap3A_16 = arith.constant 0 : index
    %swap3A_17 = vector.load %arg5[%swap3A, %swap3A_16] : memref<256x1024xf32, #tpu.memory_space<vmem>>, vector<256x1024xf32>
    tpu.vector_store %arg5[%swap3A, %swap3A_16], %add3A {strides = array<i32>} : memref<256x1024xf32, #tpu.memory_space<vmem>>, vector<256x1024xf32>,
    return
  }
  func.func @transform_0(%arg0: i32) -> (i32, i32) {
    %c0_i32 = arith.constant 0 : i32
    %c0_i32_0 = arith.constant 0 : i32
    return %arg0, %c0_i32 : i32, i32
  }
  func.func @transform_1(%arg0: i32) -> (i32, i32) {
    %c0_i32 = arith.constant 0 : i32
    %c0_i32_0 = arith.constant 0 : i32
    %c0_i32_1 = arith.constant 0 : i32
    return %c0_i32, %c0_i32_0 : i32, i32
  }
  func.func @transform_2(%arg0: i32) -> (i32, i32) {
    %c0_i32 = arith.constant 0 : i32
    %c0_i32_0 = arith.constant 0 : i32
    return %arg0, %c0_i32 : i32, i32
  }
  func.func @transform_3(%arg0: i32) -> (i32, i32) {
    %c0_i32 = arith.constant 0 : i32
    %c0_i32_0 = arith.constant 0 : i32
    return %arg0, %c0_i32 : i32, i32
  }
  func.func @transform_4(%arg0: i32) -> (i32, i32) {
    %c0_i32 = arith.constant 0 : i32
    %c0_i32_0 = arith.constant 0 : i32
    return %arg0, %c0_i32 : i32, i32
  }
}

module attributes {stable_mosaic.version = 14 : i64} {
  func.func @_expert_body(%arg0: i32, %arg1: i32, %arg2: memref<24xi32, #tpu.memory_space<smem>>, %arg3: memref<2048x1024xf32, #tpu.memory_space<vmem>>, %arg4: memref<256x1xi32, #tpu.memory_space<vmem>>, %arg5: memref<1x1x1024x1024xf32, #tpu.memory_space<vmem>>, %arg6: memref<1x1x1024x1024xf32, #tpu.memory_space<vmem>>, %arg7: memref<1x1x1024x1024xf32, #tpu.memory_space<vmem>>, %arg8: memref<256x1xf32, #tpu.memory_space<vmem>>, %arg9: memref<256x1024xf32, #tpu.memory_space<vmem>>, %arg10: memref<256x1024xf32, #tpu.memory_space<vmem>>) attributes {dimension_semantics = [#tpu.dimension_semantics<arbitrary>, #tpu.dimension_semantics<arbitrary>], iteration_bounds = array<i64: 24, 2>, scalar_prefetch = 1 : i64, scratch_operands = 1 : i64, tpu.core_type = #tpu.core_type<tc>, window_params = [{pipeline_mode = #tpu.pipeline_mode<synchronous>, transform_indices = @transform_0, window_bounds = array<i64: 2048, 1024>}, {transform_indices = @transform_1, window_bounds = array<i64: 256, 1>}, {transform_indices = @transform_2, window_bounds = array<i64: 1, 1, 1024, 1024>}, {transform_indices = @transform_3, window_bounds = array<i64: 1, 1, 1024, 1024>}, {transform_indices = @transform_4, window_bounds = array<i64: 1, 1, 1024, 1024>}, {transform_indices = @transform_5, window_bounds = array<i64: 256, 1>}, {transform_indices = @transform_6, window_bounds = array<i64: 256, 1024>}]} {
    %eq3A = arith.constant 0 : i32
    %eq3A_0 = arith.cmpi eq, %arg1, %eq3A : i32
    %convert_element_type3A = arith.extui %eq3A_0 : i1 to i32
    %cond3A = arith.constant 0 : i32
    %cond3A_1 = arith.cmpi ne, %convert_element_type3A, %cond3A : i32
    scf.if %cond3A_1 {
      %iota3A = tpu.iota {dimensions = array<i32: 1>} : vector<256x2048xi32>
      %get3A_43 = arith.constant 0 : index
      %get3A_44 = arith.constant 0 : index
      %get3A_45 = vector.load %arg4[%get3A_43, %get3A_44] : memref<256x1xi32, #tpu.memory_space<vmem>>, vector<256x1xi32>
      %eq3A_46 = vector.broadcast %get3A_45 : vector<256x1xi32> to vector<256x2048xi32>
      %eq3A_47 = arith.cmpi eq, %iota3A, %eq3A_46 : vector<256x2048xi32>
      %convert_element_type3A_48 = arith.extui %eq3A_47 : vector<256x2048xi1> to vector<256x2048xi32>
      %convert_element_type3A_49 = arith.sitofp %convert_element_type3A_48 : vector<256x2048xi32> to vector<256x2048xf32>
      %get3A_50 = arith.constant 0 : index
      %get3A_51 = arith.constant 0 : index
      %get3A_52 = vector.load %arg3[%get3A_50, %get3A_51] : memref<2048x1024xf32, #tpu.memory_space<vmem>>, vector<2048x1024xf32>
      %dot_general3A_53 = arith.constant dense<0.000000e+00> : vector<256x1024xf32>
      %dot_general3A_54 = tpu.matmul %convert_element_type3A_49, %get3A_52, %dot_general3A_53 {dimension_numbers = #tpu.dot_dimension_numbers<[1], [0], [0], [1], [0, 0, 1, 1], [], []>, transpose_lhs_hint = false} : vector<256x2048xf32>, vector<2048x1024xf32>, vector<256x1024xf32> -> vector<256x1024xf32>
      %swap3A = arith.constant 0 : index
      %swap3A_55 = arith.constant 0 : index
      %swap3A_56 = vector.load %arg10[%swap3A, %swap3A_55] : memref<256x1024xf32, #tpu.memory_space<vmem>>, vector<256x1024xf32>
      tpu.vector_store %arg10[%swap3A, %swap3A_55], %dot_general3A_54 {strides = array<i32>} : memref<256x1024xf32, #tpu.memory_space<vmem>>, vector<256x1024xf32>,
    } else {
    }
    %get3A = arith.constant 0 : index
    %get3A_2 = arith.constant 0 : index
    %get3A_3 = vector.load %arg10[%get3A, %get3A_2] : memref<256x1024xf32, #tpu.memory_space<vmem>>, vector<256x1024xf32>
    %get3A_4 = arith.constant 0 : index
    %get3A_5 = arith.constant 0 : index
    %get3A_6 = arith.constant 0 : index
    %get3A_7 = arith.constant 0 : index
    %get3A_8 = vector.load %arg5[%get3A_4, %get3A_5, %get3A_6, %get3A_7] : memref<1x1x1024x1024xf32, #tpu.memory_space<vmem>>, vector<1x1x1024x1024xf32>
    %get3A_9 = vector.shape_cast %get3A_8 : vector<1x1x1024x1024xf32> to vector<1024x1024xf32>
    %dot_general3A = arith.constant dense<0.000000e+00> : vector<256x1024xf32>
    %dot_general3A_10 = tpu.matmul %get3A_3, %get3A_9, %dot_general3A {dimension_numbers = #tpu.dot_dimension_numbers<[1], [0], [0], [1], [0, 0, 1, 1], [], []>, transpose_lhs_hint = false} : vector<256x1024xf32>, vector<1024x1024xf32>, vector<256x1024xf32> -> vector<256x1024xf32>
    %logistic3A = arith.negf %dot_general3A_10 : vector<256x1024xf32>
    %logistic3A_11 = math.exp %logistic3A : vector<256x1024xf32>
    %logistic3A_12 = arith.constant 1.000000e+00 : f32
    %logistic3A_13 = vector.broadcast %logistic3A_12 : f32 to vector<256x1024xf32>
    %logistic3A_14 = arith.addf %logistic3A_13, %logistic3A_11 : vector<256x1024xf32>
    %logistic3A_15 = arith.divf %logistic3A_13, %logistic3A_14 : vector<256x1024xf32>
    %mul3A = arith.mulf %dot_general3A_10, %logistic3A_15 : vector<256x1024xf32>
    %get3A_16 = arith.constant 0 : index
    %get3A_17 = arith.constant 0 : index
    %get3A_18 = arith.constant 0 : index
    %get3A_19 = arith.constant 0 : index
    %get3A_20 = vector.load %arg7[%get3A_16, %get3A_17, %get3A_18, %get3A_19] : memref<1x1x1024x1024xf32, #tpu.memory_space<vmem>>, vector<1x1x1024x1024xf32>
    %get3A_21 = vector.shape_cast %get3A_20 : vector<1x1x1024x1024xf32> to vector<1024x1024xf32>
    %dot_general3A_22 = arith.constant dense<0.000000e+00> : vector<256x1024xf32>
    %dot_general3A_23 = tpu.matmul %get3A_3, %get3A_21, %dot_general3A_22 {dimension_numbers = #tpu.dot_dimension_numbers<[1], [0], [0], [1], [0, 0, 1, 1], [], []>, transpose_lhs_hint = false} : vector<256x1024xf32>, vector<1024x1024xf32>, vector<256x1024xf32> -> vector<256x1024xf32>
    %mul3A_24 = arith.mulf %mul3A, %dot_general3A_23 : vector<256x1024xf32>
    %get3A_25 = arith.constant 0 : index
    %get3A_26 = arith.constant 0 : index
    %get3A_27 = arith.constant 0 : index
    %get3A_28 = arith.constant 0 : index
    %get3A_29 = vector.load %arg6[%get3A_25, %get3A_26, %get3A_27, %get3A_28] : memref<1x1x1024x1024xf32, #tpu.memory_space<vmem>>, vector<1x1x1024x1024xf32>
    %get3A_30 = vector.shape_cast %get3A_29 : vector<1x1x1024x1024xf32> to vector<1024x1024xf32>
    %dot_general3A_31 = arith.constant dense<0.000000e+00> : vector<256x1024xf32>
    %dot_general3A_32 = tpu.matmul %mul3A_24, %get3A_30, %dot_general3A_31 {dimension_numbers = #tpu.dot_dimension_numbers<[1], [0], [0], [1], [0, 0, 1, 1], [], []>, transpose_lhs_hint = false} : vector<256x1024xf32>, vector<1024x1024xf32>, vector<256x1024xf32> -> vector<256x1024xf32>
    %eq3A_33 = arith.constant 0 : i32
    %eq3A_34 = arith.cmpi eq, %arg1, %eq3A_33 : i32
    %convert_element_type3A_35 = arith.extui %eq3A_34 : i1 to i32
    %cond3A_36 = arith.constant 0 : i32
    %cond3A_37 = arith.cmpi ne, %convert_element_type3A_35, %cond3A_36 : i32
    scf.if %cond3A_37 {
      %get3A_43 = arith.constant 0 : index
      %get3A_44 = arith.constant 0 : index
      %get3A_45 = vector.load %arg8[%get3A_43, %get3A_44] : memref<256x1xf32, #tpu.memory_space<vmem>>, vector<256x1xf32>
      %mul3A_46 = vector.broadcast %get3A_45 : vector<256x1xf32> to vector<256x1024xf32>
      %mul3A_47 = arith.mulf %dot_general3A_32, %mul3A_46 : vector<256x1024xf32>
      %swap3A = arith.constant 0 : index
      %swap3A_48 = arith.constant 0 : index
      %swap3A_49 = vector.load %arg9[%swap3A, %swap3A_48] : memref<256x1024xf32, #tpu.memory_space<vmem>>, vector<256x1024xf32>
      tpu.vector_store %arg9[%swap3A, %swap3A_48], %mul3A_47 {strides = array<i32>} : memref<256x1024xf32, #tpu.memory_space<vmem>>, vector<256x1024xf32>,
    } else {
    }
    %eq3A_38 = arith.constant 1 : i32
    %eq3A_39 = arith.cmpi eq, %arg1, %eq3A_38 : i32
    %convert_element_type3A_40 = arith.extui %eq3A_39 : i1 to i32
    %cond3A_41 = arith.constant 0 : i32
    %cond3A_42 = arith.cmpi ne, %convert_element_type3A_40, %cond3A_41 : i32
    scf.if %cond3A_42 {
      %get3A_43 = arith.constant 0 : index
      %get3A_44 = arith.constant 0 : index
      %get3A_45 = vector.load %arg9[%get3A_43, %get3A_44] : memref<256x1024xf32, #tpu.memory_space<vmem>>, vector<256x1024xf32>
      %get3A_46 = arith.constant 0 : index
      %get3A_47 = arith.constant 0 : index
      %get3A_48 = vector.load %arg8[%get3A_46, %get3A_47] : memref<256x1xf32, #tpu.memory_space<vmem>>, vector<256x1xf32>
      %mul3A_49 = vector.broadcast %get3A_48 : vector<256x1xf32> to vector<256x1024xf32>
      %mul3A_50 = arith.mulf %dot_general3A_32, %mul3A_49 : vector<256x1024xf32>
      %add3A = arith.addf %get3A_45, %mul3A_50 : vector<256x1024xf32>
      %swap3A = arith.constant 0 : index
      %swap3A_51 = arith.constant 0 : index
      %swap3A_52 = vector.load %arg9[%swap3A, %swap3A_51] : memref<256x1024xf32, #tpu.memory_space<vmem>>, vector<256x1024xf32>
      tpu.vector_store %arg9[%swap3A, %swap3A_51], %add3A {strides = array<i32>} : memref<256x1024xf32, #tpu.memory_space<vmem>>, vector<256x1024xf32>,
    } else {
    }
    return
  }
  func.func @transform_0(%arg0: i32, %arg1: i32, %arg2: memref<24xi32, #tpu.memory_space<smem>>) -> (i32, i32) {
    %c0_i32 = arith.constant 0 : i32
    %c0_i32_0 = arith.constant 0 : i32
    %c0_i32_1 = arith.constant 0 : i32
    return %c0_i32, %c0_i32_0 : i32, i32
  }
  func.func @transform_1(%arg0: i32, %arg1: i32, %arg2: memref<24xi32, #tpu.memory_space<smem>>) -> (i32, i32) {
    %c0_i32 = arith.constant 0 : i32
    %c0_i32_0 = arith.constant 0 : i32
    return %arg0, %c0_i32 : i32, i32
  }
  func.func @transform_2(%arg0: i32, %arg1: i32, %arg2: memref<24xi32, #tpu.memory_space<smem>>) -> (i32, i32, i32, i32) {
    %get3A = arith.index_cast %arg0 : i32 to index
    %get3A_0 = memref.load %arg2[%get3A] : memref<24xi32, #tpu.memory_space<smem>>
    %c0_i32 = arith.constant 0 : i32
    %c0_i32_1 = arith.constant 0 : i32
    %c0_i32_2 = arith.constant 0 : i32
    return %c0_i32, %get3A_0, %c0_i32_1, %arg1 : i32, i32, i32, i32
  }
  func.func @transform_3(%arg0: i32, %arg1: i32, %arg2: memref<24xi32, #tpu.memory_space<smem>>) -> (i32, i32, i32, i32) {
    %get3A = arith.index_cast %arg0 : i32 to index
    %get3A_0 = memref.load %arg2[%get3A] : memref<24xi32, #tpu.memory_space<smem>>
    %c0_i32 = arith.constant 0 : i32
    %c0_i32_1 = arith.constant 0 : i32
    %c0_i32_2 = arith.constant 0 : i32
    return %c0_i32, %get3A_0, %arg1, %c0_i32_1 : i32, i32, i32, i32
  }
  func.func @transform_4(%arg0: i32, %arg1: i32, %arg2: memref<24xi32, #tpu.memory_space<smem>>) -> (i32, i32, i32, i32) {
    %get3A = arith.index_cast %arg0 : i32 to index
    %get3A_0 = memref.load %arg2[%get3A] : memref<24xi32, #tpu.memory_space<smem>>
    %c0_i32 = arith.constant 0 : i32
    %c0_i32_1 = arith.constant 0 : i32
    %c0_i32_2 = arith.constant 0 : i32
    return %c0_i32, %get3A_0, %c0_i32_1, %arg1 : i32, i32, i32, i32
  }
  func.func @transform_5(%arg0: i32, %arg1: i32, %arg2: memref<24xi32, #tpu.memory_space<smem>>) -> (i32, i32) {
    %c0_i32 = arith.constant 0 : i32
    %c0_i32_0 = arith.constant 0 : i32
    return %arg0, %c0_i32 : i32, i32
  }
  func.func @transform_6(%arg0: i32, %arg1: i32, %arg2: memref<24xi32, #tpu.memory_space<smem>>) -> (i32, i32) {
    %c0_i32 = arith.constant 0 : i32
    %c0_i32_0 = arith.constant 0 : i32
    return %arg0, %c0_i32 : i32, i32
  }
}

module attributes {stable_mosaic.version = 14 : i64} {
  func.func @_qkv_body(%arg0: i32, %arg1: memref<256x1024xf32, #tpu.memory_space<vmem>>, %arg2: memref<1x1x1024xf32, #tpu.memory_space<vmem>>, %arg3: memref<1x1024x1024xf32, #tpu.memory_space<vmem>>, %arg4: memref<1x1024x512xf32, #tpu.memory_space<vmem>>, %arg5: memref<1x1024x512xf32, #tpu.memory_space<vmem>>, %arg6: memref<256x1024xf32, #tpu.memory_space<vmem>>, %arg7: memref<256x512xf32, #tpu.memory_space<vmem>>, %arg8: memref<256x512xf32, #tpu.memory_space<vmem>>) attributes {dimension_semantics = [#tpu.dimension_semantics<arbitrary>], iteration_bounds = array<i64: 8>, scalar_prefetch = 0 : i64, scratch_operands = 0 : i64, tpu.core_type = #tpu.core_type<tc>, window_params = [{transform_indices = @transform_0, window_bounds = array<i64: 256, 1024>}, {transform_indices = @transform_1, window_bounds = array<i64: 1, 1, 1024>}, {transform_indices = @transform_2, window_bounds = array<i64: 1, 1024, 1024>}, {transform_indices = @transform_3, window_bounds = array<i64: 1, 1024, 512>}, {transform_indices = @transform_4, window_bounds = array<i64: 1, 1024, 512>}, {transform_indices = @transform_5, window_bounds = array<i64: 256, 1024>}, {transform_indices = @transform_6, window_bounds = array<i64: 256, 512>}, {transform_indices = @transform_7, window_bounds = array<i64: 256, 512>}]} {
    %get3A = arith.constant 0 : index
    %get3A_0 = arith.constant 0 : index
    %get3A_1 = vector.load %arg1[%get3A, %get3A_0] : memref<256x1024xf32, #tpu.memory_space<vmem>>, vector<256x1024xf32>
    %get3A_2 = arith.constant 0 : index
    %get3A_3 = arith.constant 0 : index
    %get3A_4 = arith.constant 0 : index
    %get3A_5 = vector.load %arg2[%get3A_2, %get3A_3, %get3A_4] : memref<1x1x1024xf32, #tpu.memory_space<vmem>>, vector<1x1x1024xf32>
    %get3A_6 = vector.shape_cast %get3A_5 : vector<1x1x1024xf32> to vector<1x1024xf32>
    %mul3A = arith.mulf %get3A_1, %get3A_1 : vector<256x1024xf32>
    %reduce_sum3A = arith.constant dense<0.000000e+00> : vector<256xf32>
    %reduce_sum3A_7 = vector.multi_reduction <add>, %mul3A, %reduce_sum3A [1] : vector<256x1024xf32> to vector<256xf32>
    %broadcast_in_dim3A = vector.shape_cast %reduce_sum3A_7 : vector<256xf32> to vector<256x1xf32>
    %div3A = arith.constant 1.024000e+03 : f32
    %div3A_8 = vector.broadcast %div3A : f32 to vector<256x1xf32>
    %div3A_9 = arith.divf %broadcast_in_dim3A, %div3A_8 : vector<256x1xf32>
    %add3A = arith.constant 9.99999974E-6 : f32
    %add3A_10 = vector.broadcast %add3A : f32 to vector<256x1xf32>
    %add3A_11 = arith.addf %div3A_9, %add3A_10 : vector<256x1xf32>
    %rsqrt3A = math.rsqrt %add3A_11 : vector<256x1xf32>
    %mul3A_12 = vector.broadcast %rsqrt3A : vector<256x1xf32> to vector<256x1024xf32>
    %mul3A_13 = arith.mulf %get3A_1, %mul3A_12 : vector<256x1024xf32>
    %mul3A_14 = vector.broadcast %get3A_6 : vector<1x1024xf32> to vector<256x1024xf32>
    %mul3A_15 = arith.mulf %mul3A_13, %mul3A_14 : vector<256x1024xf32>
    %get3A_16 = arith.constant 0 : index
    %get3A_17 = arith.constant 0 : index
    %get3A_18 = arith.constant 0 : index
    %get3A_19 = vector.load %arg3[%get3A_16, %get3A_17, %get3A_18] : memref<1x1024x1024xf32, #tpu.memory_space<vmem>>, vector<1x1024x1024xf32>
    %get3A_20 = vector.shape_cast %get3A_19 : vector<1x1024x1024xf32> to vector<1024x1024xf32>
    %dot_general3A = arith.constant dense<0.000000e+00> : vector<256x1024xf32>
    %dot_general3A_21 = tpu.matmul %mul3A_15, %get3A_20, %dot_general3A {dimension_numbers = #tpu.dot_dimension_numbers<[1], [0], [0], [1], [0, 0, 1, 1], [], []>, transpose_lhs_hint = false} : vector<256x1024xf32>, vector<1024x1024xf32>, vector<256x1024xf32> -> vector<256x1024xf32>
    %swap3A = arith.constant 0 : index
    %swap3A_22 = arith.constant 0 : index
    %swap3A_23 = vector.load %arg6[%swap3A, %swap3A_22] : memref<256x1024xf32, #tpu.memory_space<vmem>>, vector<256x1024xf32>
    tpu.vector_store %arg6[%swap3A, %swap3A_22], %dot_general3A_21 {strides = array<i32>} : memref<256x1024xf32, #tpu.memory_space<vmem>>, vector<256x1024xf32>,
    %get3A_24 = arith.constant 0 : index
    %get3A_25 = arith.constant 0 : index
    %get3A_26 = arith.constant 0 : index
    %get3A_27 = vector.load %arg4[%get3A_24, %get3A_25, %get3A_26] : memref<1x1024x512xf32, #tpu.memory_space<vmem>>, vector<1x1024x512xf32>
    %get3A_28 = vector.shape_cast %get3A_27 : vector<1x1024x512xf32> to vector<1024x512xf32>
    %dot_general3A_29 = arith.constant dense<0.000000e+00> : vector<256x512xf32>
    %dot_general3A_30 = tpu.matmul %mul3A_15, %get3A_28, %dot_general3A_29 {dimension_numbers = #tpu.dot_dimension_numbers<[1], [0], [0], [1], [0, 0, 1, 1], [], []>, transpose_lhs_hint = false} : vector<256x1024xf32>, vector<1024x512xf32>, vector<256x512xf32> -> vector<256x512xf32>
    %swap3A_31 = arith.constant 0 : index
    %swap3A_32 = arith.constant 0 : index
    %swap3A_33 = vector.load %arg7[%swap3A_31, %swap3A_32] : memref<256x512xf32, #tpu.memory_space<vmem>>, vector<256x512xf32>
    tpu.vector_store %arg7[%swap3A_31, %swap3A_32], %dot_general3A_30 {strides = array<i32>} : memref<256x512xf32, #tpu.memory_space<vmem>>, vector<256x512xf32>,
    %get3A_34 = arith.constant 0 : index
    %get3A_35 = arith.constant 0 : index
    %get3A_36 = arith.constant 0 : index
    %get3A_37 = vector.load %arg5[%get3A_34, %get3A_35, %get3A_36] : memref<1x1024x512xf32, #tpu.memory_space<vmem>>, vector<1x1024x512xf32>
    %get3A_38 = vector.shape_cast %get3A_37 : vector<1x1024x512xf32> to vector<1024x512xf32>
    %dot_general3A_39 = arith.constant dense<0.000000e+00> : vector<256x512xf32>
    %dot_general3A_40 = tpu.matmul %mul3A_15, %get3A_38, %dot_general3A_39 {dimension_numbers = #tpu.dot_dimension_numbers<[1], [0], [0], [1], [0, 0, 1, 1], [], []>, transpose_lhs_hint = false} : vector<256x1024xf32>, vector<1024x512xf32>, vector<256x512xf32> -> vector<256x512xf32>
    %swap3A_41 = arith.constant 0 : index
    %swap3A_42 = arith.constant 0 : index
    %swap3A_43 = vector.load %arg8[%swap3A_41, %swap3A_42] : memref<256x512xf32, #tpu.memory_space<vmem>>, vector<256x512xf32>
    tpu.vector_store %arg8[%swap3A_41, %swap3A_42], %dot_general3A_40 {strides = array<i32>} : memref<256x512xf32, #tpu.memory_space<vmem>>, vector<256x512xf32>,
    return
  }
  func.func @transform_0(%arg0: i32) -> (i32, i32) {
    %c0_i32 = arith.constant 0 : i32
    %c0_i32_0 = arith.constant 0 : i32
    return %arg0, %c0_i32 : i32, i32
  }
  func.func @transform_1(%arg0: i32) -> (i32, i32, i32) {
    %c1_i32 = arith.constant 1 : i32
    %c0_i32 = arith.constant 0 : i32
    %c0_i32_0 = arith.constant 0 : i32
    %c0_i32_1 = arith.constant 0 : i32
    return %c1_i32, %c0_i32, %c0_i32_0 : i32, i32, i32
  }
  func.func @transform_2(%arg0: i32) -> (i32, i32, i32) {
    %c1_i32 = arith.constant 1 : i32
    %c0_i32 = arith.constant 0 : i32
    %c0_i32_0 = arith.constant 0 : i32
    %c0_i32_1 = arith.constant 0 : i32
    return %c1_i32, %c0_i32, %c0_i32_0 : i32, i32, i32
  }
  func.func @transform_3(%arg0: i32) -> (i32, i32, i32) {
    %c1_i32 = arith.constant 1 : i32
    %c0_i32 = arith.constant 0 : i32
    %c0_i32_0 = arith.constant 0 : i32
    %c0_i32_1 = arith.constant 0 : i32
    return %c1_i32, %c0_i32, %c0_i32_0 : i32, i32, i32
  }
  func.func @transform_4(%arg0: i32) -> (i32, i32, i32) {
    %c1_i32 = arith.constant 1 : i32
    %c0_i32 = arith.constant 0 : i32
    %c0_i32_0 = arith.constant 0 : i32
    %c0_i32_1 = arith.constant 0 : i32
    return %c1_i32, %c0_i32, %c0_i32_0 : i32, i32, i32
  }
  func.func @transform_5(%arg0: i32) -> (i32, i32) {
    %c0_i32 = arith.constant 0 : i32
    %c0_i32_0 = arith.constant 0 : i32
    return %arg0, %c0_i32 : i32, i32
  }
  func.func @transform_6(%arg0: i32) -> (i32, i32) {
    %c0_i32 = arith.constant 0 : i32
    %c0_i32_0 = arith.constant 0 : i32
    return %arg0, %c0_i32 : i32, i32
  }
  func.func @transform_7(%arg0: i32) -> (i32, i32) {
    %c0_i32 = arith.constant 0 : i32
    %c0_i32_0 = arith.constant 0 : i32
    return %arg0, %c0_i32 : i32, i32
  }
}

module attributes {stable_mosaic.version = 14 : i64} {
  func.func @_outproj_body(%arg0: i32, %arg1: memref<256x1024xf32, #tpu.memory_space<vmem>>, %arg2: memref<256x1024xf32, #tpu.memory_space<vmem>>, %arg3: memref<1x1024x1024xf32, #tpu.memory_space<vmem>>, %arg4: memref<256x1024xf32, #tpu.memory_space<vmem>>) attributes {dimension_semantics = [#tpu.dimension_semantics<arbitrary>], iteration_bounds = array<i64: 8>, scalar_prefetch = 0 : i64, scratch_operands = 0 : i64, tpu.core_type = #tpu.core_type<tc>, window_params = [{transform_indices = @transform_0, window_bounds = array<i64: 256, 1024>}, {transform_indices = @transform_1, window_bounds = array<i64: 256, 1024>}, {transform_indices = @transform_2, window_bounds = array<i64: 1, 1024, 1024>}, {transform_indices = @transform_3, window_bounds = array<i64: 256, 1024>}]} {
    %get3A = arith.constant 0 : index
    %get3A_0 = arith.constant 0 : index
    %get3A_1 = vector.load %arg1[%get3A, %get3A_0] : memref<256x1024xf32, #tpu.memory_space<vmem>>, vector<256x1024xf32>
    %get3A_2 = arith.constant 0 : index
    %get3A_3 = arith.constant 0 : index
    %get3A_4 = vector.load %arg2[%get3A_2, %get3A_3] : memref<256x1024xf32, #tpu.memory_space<vmem>>, vector<256x1024xf32>
    %get3A_5 = arith.constant 0 : index
    %get3A_6 = arith.constant 0 : index
    %get3A_7 = arith.constant 0 : index
    %get3A_8 = vector.load %arg3[%get3A_5, %get3A_6, %get3A_7] : memref<1x1024x1024xf32, #tpu.memory_space<vmem>>, vector<1x1024x1024xf32>
    %get3A_9 = vector.shape_cast %get3A_8 : vector<1x1024x1024xf32> to vector<1024x1024xf32>
    %dot_general3A = arith.constant dense<0.000000e+00> : vector<256x1024xf32>
    %dot_general3A_10 = tpu.matmul %get3A_4, %get3A_9, %dot_general3A {dimension_numbers = #tpu.dot_dimension_numbers<[1], [0], [0], [1], [0, 0, 1, 1], [], []>, transpose_lhs_hint = false} : vector<256x1024xf32>, vector<1024x1024xf32>, vector<256x1024xf32> -> vector<256x1024xf32>
    %add3A = arith.addf %get3A_1, %dot_general3A_10 : vector<256x1024xf32>
    %swap3A = arith.constant 0 : index
    %swap3A_11 = arith.constant 0 : index
    %swap3A_12 = vector.load %arg4[%swap3A, %swap3A_11] : memref<256x1024xf32, #tpu.memory_space<vmem>>, vector<256x1024xf32>
    tpu.vector_store %arg4[%swap3A, %swap3A_11], %add3A {strides = array<i32>} : memref<256x1024xf32, #tpu.memory_space<vmem>>, vector<256x1024xf32>,
    return
  }
  func.func @transform_0(%arg0: i32) -> (i32, i32) {
    %c0_i32 = arith.constant 0 : i32
    %c0_i32_0 = arith.constant 0 : i32
    return %arg0, %c0_i32 : i32, i32
  }
  func.func @transform_1(%arg0: i32) -> (i32, i32) {
    %c0_i32 = arith.constant 0 : i32
    %c0_i32_0 = arith.constant 0 : i32
    return %arg0, %c0_i32 : i32, i32
  }
  func.func @transform_2(%arg0: i32) -> (i32, i32, i32) {
    %c1_i32 = arith.constant 1 : i32
    %c0_i32 = arith.constant 0 : i32
    %c0_i32_0 = arith.constant 0 : i32
    %c0_i32_1 = arith.constant 0 : i32
    return %c1_i32, %c0_i32, %c0_i32_0 : i32, i32, i32
  }
  func.func @transform_3(%arg0: i32) -> (i32, i32) {
    %c0_i32 = arith.constant 0 : i32
    %c0_i32_0 = arith.constant 0 : i32
    return %arg0, %c0_i32 : i32, i32
  }
}

module attributes {stable_mosaic.version = 14 : i64} {
  func.func @_router_body(%arg0: i32, %arg1: memref<256x1024xf32, #tpu.memory_space<vmem>>, %arg2: memref<1x1x1024xf32, #tpu.memory_space<vmem>>, %arg3: memref<1x1024x128xf32, #tpu.memory_space<vmem>>, %arg4: memref<256x1024xf32, #tpu.memory_space<vmem>>, %arg5: memref<256x128xi32, #tpu.memory_space<vmem>>, %arg6: memref<256x128xf32, #tpu.memory_space<vmem>>) attributes {dimension_semantics = [#tpu.dimension_semantics<arbitrary>], iteration_bounds = array<i64: 8>, scalar_prefetch = 0 : i64, scratch_operands = 0 : i64, tpu.core_type = #tpu.core_type<tc>, window_params = [{transform_indices = @transform_0, window_bounds = array<i64: 256, 1024>}, {transform_indices = @transform_1, window_bounds = array<i64: 1, 1, 1024>}, {transform_indices = @transform_2, window_bounds = array<i64: 1, 1024, 128>}, {transform_indices = @transform_3, window_bounds = array<i64: 256, 1024>}, {transform_indices = @transform_4, window_bounds = array<i64: 256, 128>}, {transform_indices = @transform_5, window_bounds = array<i64: 256, 128>}]} {
    %get3A = arith.constant 0 : index
    %get3A_0 = arith.constant 0 : index
    %get3A_1 = vector.load %arg1[%get3A, %get3A_0] : memref<256x1024xf32, #tpu.memory_space<vmem>>, vector<256x1024xf32>
    %get3A_2 = arith.constant 0 : index
    %get3A_3 = arith.constant 0 : index
    %get3A_4 = arith.constant 0 : index
    %get3A_5 = vector.load %arg2[%get3A_2, %get3A_3, %get3A_4] : memref<1x1x1024xf32, #tpu.memory_space<vmem>>, vector<1x1x1024xf32>
    %get3A_6 = vector.shape_cast %get3A_5 : vector<1x1x1024xf32> to vector<1x1024xf32>
    %mul3A = arith.mulf %get3A_1, %get3A_1 : vector<256x1024xf32>
    %reduce_sum3A = arith.constant dense<0.000000e+00> : vector<256xf32>
    %reduce_sum3A_7 = vector.multi_reduction <add>, %mul3A, %reduce_sum3A [1] : vector<256x1024xf32> to vector<256xf32>
    %broadcast_in_dim3A = vector.shape_cast %reduce_sum3A_7 : vector<256xf32> to vector<256x1xf32>
    %div3A = arith.constant 1.024000e+03 : f32
    %div3A_8 = vector.broadcast %div3A : f32 to vector<256x1xf32>
    %div3A_9 = arith.divf %broadcast_in_dim3A, %div3A_8 : vector<256x1xf32>
    %add3A = arith.constant 9.99999974E-6 : f32
    %add3A_10 = vector.broadcast %add3A : f32 to vector<256x1xf32>
    %add3A_11 = arith.addf %div3A_9, %add3A_10 : vector<256x1xf32>
    %rsqrt3A = math.rsqrt %add3A_11 : vector<256x1xf32>
    %mul3A_12 = vector.broadcast %rsqrt3A : vector<256x1xf32> to vector<256x1024xf32>
    %mul3A_13 = arith.mulf %get3A_1, %mul3A_12 : vector<256x1024xf32>
    %mul3A_14 = vector.broadcast %get3A_6 : vector<1x1024xf32> to vector<256x1024xf32>
    %mul3A_15 = arith.mulf %mul3A_13, %mul3A_14 : vector<256x1024xf32>
    %swap3A = arith.constant 0 : index
    %swap3A_16 = arith.constant 0 : index
    %swap3A_17 = vector.load %arg4[%swap3A, %swap3A_16] : memref<256x1024xf32, #tpu.memory_space<vmem>>, vector<256x1024xf32>
    tpu.vector_store %arg4[%swap3A, %swap3A_16], %mul3A_15 {strides = array<i32>} : memref<256x1024xf32, #tpu.memory_space<vmem>>, vector<256x1024xf32>,
    %get3A_18 = arith.constant 0 : index
    %get3A_19 = arith.constant 0 : index
    %get3A_20 = arith.constant 0 : index
    %get3A_21 = vector.load %arg3[%get3A_18, %get3A_19, %get3A_20] : memref<1x1024x128xf32, #tpu.memory_space<vmem>>, vector<1x1024x128xf32>
    %get3A_22 = vector.shape_cast %get3A_21 : vector<1x1024x128xf32> to vector<1024x128xf32>
    %dot_general3A = arith.constant dense<0.000000e+00> : vector<256x128xf32>
    %dot_general3A_23 = tpu.matmul %mul3A_15, %get3A_22, %dot_general3A {dimension_numbers = #tpu.dot_dimension_numbers<[1], [0], [0], [1], [0, 0, 1, 1], [], []>, transpose_lhs_hint = false} : vector<256x1024xf32>, vector<1024x128xf32>, vector<256x128xf32> -> vector<256x128xf32>
    %iota3A = tpu.iota {dimensions = array<i32: 1>} : vector<256x128xi32>
    %lt3A = arith.constant 8 : i32
    %lt3A_24 = vector.broadcast %lt3A : i32 to vector<256x128xi32>
    %lt3A_25 = arith.cmpi slt, %iota3A, %lt3A_24 : vector<256x128xi32>
    %jit3A = arith.constant -1.000000e+30 : f32
    %broadcast_in_dim3A_26 = vector.broadcast %jit3A : f32 to vector<256x128xf32>
    %select_n3A = arith.select %lt3A_25, %dot_general3A_23, %broadcast_in_dim3A_26 : vector<256x128xi1>, vector<256x128xf32>
    %reduce_max3A = arith.constant dense<0xFF800000> : vector<256xf32>
    %reduce_max3A_27 = vector.multi_reduction <maximumf>, %select_n3A, %reduce_max3A [1] : vector<256x128xf32> to vector<256xf32>
    %broadcast_in_dim3A_28 = vector.shape_cast %reduce_max3A_27 : vector<256xf32> to vector<256x1xf32>
    %sub3A = vector.broadcast %broadcast_in_dim3A_28 : vector<256x1xf32> to vector<256x128xf32>
    %sub3A_29 = arith.subf %select_n3A, %sub3A : vector<256x128xf32>
    %exp3A = math.exp %sub3A_29 : vector<256x128xf32>
    %reduce_sum3A_30 = arith.constant dense<0.000000e+00> : vector<256xf32>
    %reduce_sum3A_31 = vector.multi_reduction <add>, %exp3A, %reduce_sum3A_30 [1] : vector<256x128xf32> to vector<256xf32>
    %broadcast_in_dim3A_32 = vector.shape_cast %reduce_sum3A_31 : vector<256xf32> to vector<256x1xf32>
    %div3A_33 = vector.broadcast %broadcast_in_dim3A_32 : vector<256x1xf32> to vector<256x128xf32>
    %div3A_34 = arith.divf %exp3A, %div3A_33 : vector<256x128xf32>
    %reduce_max3A_35 = arith.constant dense<0xFF800000> : vector<256xf32>
    %reduce_max3A_36 = vector.multi_reduction <maximumf>, %div3A_34, %reduce_max3A_35 [1] : vector<256x128xf32> to vector<256xf32>
    %broadcast_in_dim3A_37 = vector.shape_cast %reduce_max3A_36 : vector<256xf32> to vector<256x1xf32>
    %eq3A = vector.broadcast %broadcast_in_dim3A_37 : vector<256x1xf32> to vector<256x128xf32>
    %eq3A_38 = arith.cmpf oeq, %div3A_34, %eq3A : vector<256x128xf32>
    %jit3A_39 = arith.constant 9999 : i32
    %broadcast_in_dim3A_40 = vector.broadcast %jit3A_39 : i32 to vector<256x128xi32>
    %select_n3A_41 = arith.select %eq3A_38, %iota3A, %broadcast_in_dim3A_40 : vector<256x128xi1>, vector<256x128xi32>
    %reduce_min3A = arith.constant dense<2147483647> : vector<256xi32>
    %reduce_min3A_42 = vector.multi_reduction <minsi>, %select_n3A_41, %reduce_min3A [1] : vector<256x128xi32> to vector<256xi32>
    %broadcast_in_dim3A_43 = vector.shape_cast %reduce_min3A_42 : vector<256xi32> to vector<256x1xi32>
    %eq3A_44 = vector.broadcast %broadcast_in_dim3A_43 : vector<256x1xi32> to vector<256x128xi32>
    %eq3A_45 = arith.cmpi eq, %iota3A, %eq3A_44 : vector<256x128xi32>
    %jit3A_46 = arith.constant -1.000000e+00 : f32
    %broadcast_in_dim3A_47 = vector.broadcast %jit3A_46 : f32 to vector<256x128xf32>
    %select_n3A_48 = arith.select %eq3A_45, %broadcast_in_dim3A_47, %div3A_34 : vector<256x128xi1>, vector<256x128xf32>
    %reduce_max3A_49 = arith.constant dense<0xFF800000> : vector<256xf32>
    %reduce_max3A_50 = vector.multi_reduction <maximumf>, %select_n3A_48, %reduce_max3A_49 [1] : vector<256x128xf32> to vector<256xf32>
    %broadcast_in_dim3A_51 = vector.shape_cast %reduce_max3A_50 : vector<256xf32> to vector<256x1xf32>
    %eq3A_52 = vector.broadcast %broadcast_in_dim3A_51 : vector<256x1xf32> to vector<256x128xf32>
    %eq3A_53 = arith.cmpf oeq, %select_n3A_48, %eq3A_52 : vector<256x128xf32>
    %jit3A_54 = arith.constant 9999 : i32
    %broadcast_in_dim3A_55 = vector.broadcast %jit3A_54 : i32 to vector<256x128xi32>
    %select_n3A_56 = arith.select %eq3A_53, %iota3A, %broadcast_in_dim3A_55 : vector<256x128xi1>, vector<256x128xi32>
    %reduce_min3A_57 = arith.constant dense<2147483647> : vector<256xi32>
    %reduce_min3A_58 = vector.multi_reduction <minsi>, %select_n3A_56, %reduce_min3A_57 [1] : vector<256x128xi32> to vector<256xi32>
    %broadcast_in_dim3A_59 = vector.shape_cast %reduce_min3A_58 : vector<256xi32> to vector<256x1xi32>
    %add3A_60 = arith.addf %broadcast_in_dim3A_37, %broadcast_in_dim3A_51 : vector<256x1xf32>
    %eq3A_61 = arith.constant 0 : i32
    %eq3A_62 = vector.broadcast %eq3A_61 : i32 to vector<256x128xi32>
    %eq3A_63 = arith.cmpi eq, %iota3A, %eq3A_62 : vector<256x128xi32>
    %eq3A_64 = arith.constant 1 : i32
    %eq3A_65 = vector.broadcast %eq3A_64 : i32 to vector<256x128xi32>
    %eq3A_66 = arith.cmpi eq, %iota3A, %eq3A_65 : vector<256x128xi32>
    %jit3A_67 = arith.constant 0 : i32
    %broadcast_in_dim3A_68 = vector.shape_cast %broadcast_in_dim3A_59 : vector<256x1xi32> to vector<256x1xi32>
    %broadcast_in_dim3A_69 = vector.broadcast %broadcast_in_dim3A_68 : vector<256x1xi32> to vector<256x128xi32>
    %broadcast_in_dim3A_70 = vector.broadcast %jit3A_67 : i32 to vector<256x128xi32>
    %select_n3A_71 = arith.select %eq3A_66, %broadcast_in_dim3A_69, %broadcast_in_dim3A_70 : vector<256x128xi1>, vector<256x128xi32>
    %broadcast_in_dim3A_72 = vector.shape_cast %broadcast_in_dim3A_43 : vector<256x1xi32> to vector<256x1xi32>
    %broadcast_in_dim3A_73 = vector.broadcast %broadcast_in_dim3A_72 : vector<256x1xi32> to vector<256x128xi32>
    %select_n3A_74 = arith.select %eq3A_63, %broadcast_in_dim3A_73, %select_n3A_71 : vector<256x128xi1>, vector<256x128xi32>
    %swap3A_75 = arith.constant 0 : index
    %swap3A_76 = arith.constant 0 : index
    %swap3A_77 = vector.load %arg5[%swap3A_75, %swap3A_76] : memref<256x128xi32, #tpu.memory_space<vmem>>, vector<256x128xi32>
    tpu.vector_store %arg5[%swap3A_75, %swap3A_76], %select_n3A_74 {strides = array<i32>} : memref<256x128xi32, #tpu.memory_space<vmem>>, vector<256x128xi32>,
    %eq3A_78 = arith.constant 0 : i32
    %eq3A_79 = vector.broadcast %eq3A_78 : i32 to vector<256x128xi32>
    %eq3A_80 = arith.cmpi eq, %iota3A, %eq3A_79 : vector<256x128xi32>
    %div3A_81 = arith.divf %broadcast_in_dim3A_37, %add3A_60 : vector<256x1xf32>
    %eq3A_82 = arith.constant 1 : i32
    %eq3A_83 = vector.broadcast %eq3A_82 : i32 to vector<256x128xi32>
    %eq3A_84 = arith.cmpi eq, %iota3A, %eq3A_83 : vector<256x128xi32>
    %div3A_85 = arith.divf %broadcast_in_dim3A_51, %add3A_60 : vector<256x1xf32>
    %jit3A_86 = arith.constant 0.000000e+00 : f32
    %broadcast_in_dim3A_87 = vector.shape_cast %div3A_85 : vector<256x1xf32> to vector<256x1xf32>
    %broadcast_in_dim3A_88 = vector.broadcast %broadcast_in_dim3A_87 : vector<256x1xf32> to vector<256x128xf32>
    %broadcast_in_dim3A_89 = vector.broadcast %jit3A_86 : f32 to vector<256x128xf32>
    %select_n3A_90 = arith.select %eq3A_84, %broadcast_in_dim3A_88, %broadcast_in_dim3A_89 : vector<256x128xi1>, vector<256x128xf32>
    %broadcast_in_dim3A_91 = vector.shape_cast %div3A_81 : vector<256x1xf32> to vector<256x1xf32>
    %broadcast_in_dim3A_92 = vector.broadcast %broadcast_in_dim3A_91 : vector<256x1xf32> to vector<256x128xf32>
    %select_n3A_93 = arith.select %eq3A_80, %broadcast_in_dim3A_92, %select_n3A_90 : vector<256x128xi1>, vector<256x128xf32>
    %swap3A_94 = arith.constant 0 : index
    %swap3A_95 = arith.constant 0 : index
    %swap3A_96 = vector.load %arg6[%swap3A_94, %swap3A_95] : memref<256x128xf32, #tpu.memory_space<vmem>>, vector<256x128xf32>
    tpu.vector_store %arg6[%swap3A_94, %swap3A_95], %select_n3A_93 {strides = array<i32>} : memref<256x128xf32, #tpu.memory_space<vmem>>, vector<256x128xf32>,
    return
  }
  func.func @transform_0(%arg0: i32) -> (i32, i32) {
    %c0_i32 = arith.constant 0 : i32
    %c0_i32_0 = arith.constant 0 : i32
    return %arg0, %c0_i32 : i32, i32
  }
  func.func @transform_1(%arg0: i32) -> (i32, i32, i32) {
    %c1_i32 = arith.constant 1 : i32
    %c0_i32 = arith.constant 0 : i32
    %c0_i32_0 = arith.constant 0 : i32
    %c0_i32_1 = arith.constant 0 : i32
    return %c1_i32, %c0_i32, %c0_i32_0 : i32, i32, i32
  }
  func.func @transform_2(%arg0: i32) -> (i32, i32, i32) {
    %c1_i32 = arith.constant 1 : i32
    %c0_i32 = arith.constant 0 : i32
    %c0_i32_0 = arith.constant 0 : i32
    %c0_i32_1 = arith.constant 0 : i32
    return %c1_i32, %c0_i32, %c0_i32_0 : i32, i32, i32
  }
  func.func @transform_3(%arg0: i32) -> (i32, i32) {
    %c0_i32 = arith.constant 0 : i32
    %c0_i32_0 = arith.constant 0 : i32
    return %arg0, %c0_i32 : i32, i32
  }
  func.func @transform_4(%arg0: i32) -> (i32, i32) {
    %c0_i32 = arith.constant 0 : i32
    %c0_i32_0 = arith.constant 0 : i32
    return %arg0, %c0_i32 : i32, i32
  }
  func.func @transform_5(%arg0: i32) -> (i32, i32) {
    %c0_i32 = arith.constant 0 : i32
    %c0_i32_0 = arith.constant 0 : i32
    return %arg0, %c0_i32 : i32, i32
  }
}

module attributes {stable_mosaic.version = 14 : i64} {
  func.func @_expert_body(%arg0: i32, %arg1: i32, %arg2: memref<24xi32, #tpu.memory_space<smem>>, %arg3: memref<2048x1024xf32, #tpu.memory_space<vmem>>, %arg4: memref<256x1xi32, #tpu.memory_space<vmem>>, %arg5: memref<1x1x1024x1024xf32, #tpu.memory_space<vmem>>, %arg6: memref<1x1x1024x1024xf32, #tpu.memory_space<vmem>>, %arg7: memref<1x1x1024x1024xf32, #tpu.memory_space<vmem>>, %arg8: memref<256x1xf32, #tpu.memory_space<vmem>>, %arg9: memref<256x1024xf32, #tpu.memory_space<vmem>>, %arg10: memref<256x1024xf32, #tpu.memory_space<vmem>>) attributes {dimension_semantics = [#tpu.dimension_semantics<arbitrary>, #tpu.dimension_semantics<arbitrary>], iteration_bounds = array<i64: 24, 2>, scalar_prefetch = 1 : i64, scratch_operands = 1 : i64, tpu.core_type = #tpu.core_type<tc>, window_params = [{pipeline_mode = #tpu.pipeline_mode<synchronous>, transform_indices = @transform_0, window_bounds = array<i64: 2048, 1024>}, {transform_indices = @transform_1, window_bounds = array<i64: 256, 1>}, {transform_indices = @transform_2, window_bounds = array<i64: 1, 1, 1024, 1024>}, {transform_indices = @transform_3, window_bounds = array<i64: 1, 1, 1024, 1024>}, {transform_indices = @transform_4, window_bounds = array<i64: 1, 1, 1024, 1024>}, {transform_indices = @transform_5, window_bounds = array<i64: 256, 1>}, {transform_indices = @transform_6, window_bounds = array<i64: 256, 1024>}]} {
    %eq3A = arith.constant 0 : i32
    %eq3A_0 = arith.cmpi eq, %arg1, %eq3A : i32
    %convert_element_type3A = arith.extui %eq3A_0 : i1 to i32
    %cond3A = arith.constant 0 : i32
    %cond3A_1 = arith.cmpi ne, %convert_element_type3A, %cond3A : i32
    scf.if %cond3A_1 {
      %iota3A = tpu.iota {dimensions = array<i32: 1>} : vector<256x2048xi32>
      %get3A_43 = arith.constant 0 : index
      %get3A_44 = arith.constant 0 : index
      %get3A_45 = vector.load %arg4[%get3A_43, %get3A_44] : memref<256x1xi32, #tpu.memory_space<vmem>>, vector<256x1xi32>
      %eq3A_46 = vector.broadcast %get3A_45 : vector<256x1xi32> to vector<256x2048xi32>
      %eq3A_47 = arith.cmpi eq, %iota3A, %eq3A_46 : vector<256x2048xi32>
      %convert_element_type3A_48 = arith.extui %eq3A_47 : vector<256x2048xi1> to vector<256x2048xi32>
      %convert_element_type3A_49 = arith.sitofp %convert_element_type3A_48 : vector<256x2048xi32> to vector<256x2048xf32>
      %get3A_50 = arith.constant 0 : index
      %get3A_51 = arith.constant 0 : index
      %get3A_52 = vector.load %arg3[%get3A_50, %get3A_51] : memref<2048x1024xf32, #tpu.memory_space<vmem>>, vector<2048x1024xf32>
      %dot_general3A_53 = arith.constant dense<0.000000e+00> : vector<256x1024xf32>
      %dot_general3A_54 = tpu.matmul %convert_element_type3A_49, %get3A_52, %dot_general3A_53 {dimension_numbers = #tpu.dot_dimension_numbers<[1], [0], [0], [1], [0, 0, 1, 1], [], []>, transpose_lhs_hint = false} : vector<256x2048xf32>, vector<2048x1024xf32>, vector<256x1024xf32> -> vector<256x1024xf32>
      %swap3A = arith.constant 0 : index
      %swap3A_55 = arith.constant 0 : index
      %swap3A_56 = vector.load %arg10[%swap3A, %swap3A_55] : memref<256x1024xf32, #tpu.memory_space<vmem>>, vector<256x1024xf32>
      tpu.vector_store %arg10[%swap3A, %swap3A_55], %dot_general3A_54 {strides = array<i32>} : memref<256x1024xf32, #tpu.memory_space<vmem>>, vector<256x1024xf32>,
    } else {
    }
    %get3A = arith.constant 0 : index
    %get3A_2 = arith.constant 0 : index
    %get3A_3 = vector.load %arg10[%get3A, %get3A_2] : memref<256x1024xf32, #tpu.memory_space<vmem>>, vector<256x1024xf32>
    %get3A_4 = arith.constant 0 : index
    %get3A_5 = arith.constant 0 : index
    %get3A_6 = arith.constant 0 : index
    %get3A_7 = arith.constant 0 : index
    %get3A_8 = vector.load %arg5[%get3A_4, %get3A_5, %get3A_6, %get3A_7] : memref<1x1x1024x1024xf32, #tpu.memory_space<vmem>>, vector<1x1x1024x1024xf32>
    %get3A_9 = vector.shape_cast %get3A_8 : vector<1x1x1024x1024xf32> to vector<1024x1024xf32>
    %dot_general3A = arith.constant dense<0.000000e+00> : vector<256x1024xf32>
    %dot_general3A_10 = tpu.matmul %get3A_3, %get3A_9, %dot_general3A {dimension_numbers = #tpu.dot_dimension_numbers<[1], [0], [0], [1], [0, 0, 1, 1], [], []>, transpose_lhs_hint = false} : vector<256x1024xf32>, vector<1024x1024xf32>, vector<256x1024xf32> -> vector<256x1024xf32>
    %logistic3A = arith.negf %dot_general3A_10 : vector<256x1024xf32>
    %logistic3A_11 = math.exp %logistic3A : vector<256x1024xf32>
    %logistic3A_12 = arith.constant 1.000000e+00 : f32
    %logistic3A_13 = vector.broadcast %logistic3A_12 : f32 to vector<256x1024xf32>
    %logistic3A_14 = arith.addf %logistic3A_13, %logistic3A_11 : vector<256x1024xf32>
    %logistic3A_15 = arith.divf %logistic3A_13, %logistic3A_14 : vector<256x1024xf32>
    %mul3A = arith.mulf %dot_general3A_10, %logistic3A_15 : vector<256x1024xf32>
    %get3A_16 = arith.constant 0 : index
    %get3A_17 = arith.constant 0 : index
    %get3A_18 = arith.constant 0 : index
    %get3A_19 = arith.constant 0 : index
    %get3A_20 = vector.load %arg7[%get3A_16, %get3A_17, %get3A_18, %get3A_19] : memref<1x1x1024x1024xf32, #tpu.memory_space<vmem>>, vector<1x1x1024x1024xf32>
    %get3A_21 = vector.shape_cast %get3A_20 : vector<1x1x1024x1024xf32> to vector<1024x1024xf32>
    %dot_general3A_22 = arith.constant dense<0.000000e+00> : vector<256x1024xf32>
    %dot_general3A_23 = tpu.matmul %get3A_3, %get3A_21, %dot_general3A_22 {dimension_numbers = #tpu.dot_dimension_numbers<[1], [0], [0], [1], [0, 0, 1, 1], [], []>, transpose_lhs_hint = false} : vector<256x1024xf32>, vector<1024x1024xf32>, vector<256x1024xf32> -> vector<256x1024xf32>
    %mul3A_24 = arith.mulf %mul3A, %dot_general3A_23 : vector<256x1024xf32>
    %get3A_25 = arith.constant 0 : index
    %get3A_26 = arith.constant 0 : index
    %get3A_27 = arith.constant 0 : index
    %get3A_28 = arith.constant 0 : index
    %get3A_29 = vector.load %arg6[%get3A_25, %get3A_26, %get3A_27, %get3A_28] : memref<1x1x1024x1024xf32, #tpu.memory_space<vmem>>, vector<1x1x1024x1024xf32>
    %get3A_30 = vector.shape_cast %get3A_29 : vector<1x1x1024x1024xf32> to vector<1024x1024xf32>
    %dot_general3A_31 = arith.constant dense<0.000000e+00> : vector<256x1024xf32>
    %dot_general3A_32 = tpu.matmul %mul3A_24, %get3A_30, %dot_general3A_31 {dimension_numbers = #tpu.dot_dimension_numbers<[1], [0], [0], [1], [0, 0, 1, 1], [], []>, transpose_lhs_hint = false} : vector<256x1024xf32>, vector<1024x1024xf32>, vector<256x1024xf32> -> vector<256x1024xf32>
    %eq3A_33 = arith.constant 0 : i32
    %eq3A_34 = arith.cmpi eq, %arg1, %eq3A_33 : i32
    %convert_element_type3A_35 = arith.extui %eq3A_34 : i1 to i32
    %cond3A_36 = arith.constant 0 : i32
    %cond3A_37 = arith.cmpi ne, %convert_element_type3A_35, %cond3A_36 : i32
    scf.if %cond3A_37 {
      %get3A_43 = arith.constant 0 : index
      %get3A_44 = arith.constant 0 : index
      %get3A_45 = vector.load %arg8[%get3A_43, %get3A_44] : memref<256x1xf32, #tpu.memory_space<vmem>>, vector<256x1xf32>
      %mul3A_46 = vector.broadcast %get3A_45 : vector<256x1xf32> to vector<256x1024xf32>
      %mul3A_47 = arith.mulf %dot_general3A_32, %mul3A_46 : vector<256x1024xf32>
      %swap3A = arith.constant 0 : index
      %swap3A_48 = arith.constant 0 : index
      %swap3A_49 = vector.load %arg9[%swap3A, %swap3A_48] : memref<256x1024xf32, #tpu.memory_space<vmem>>, vector<256x1024xf32>
      tpu.vector_store %arg9[%swap3A, %swap3A_48], %mul3A_47 {strides = array<i32>} : memref<256x1024xf32, #tpu.memory_space<vmem>>, vector<256x1024xf32>,
    } else {
    }
    %eq3A_38 = arith.constant 1 : i32
    %eq3A_39 = arith.cmpi eq, %arg1, %eq3A_38 : i32
    %convert_element_type3A_40 = arith.extui %eq3A_39 : i1 to i32
    %cond3A_41 = arith.constant 0 : i32
    %cond3A_42 = arith.cmpi ne, %convert_element_type3A_40, %cond3A_41 : i32
    scf.if %cond3A_42 {
      %get3A_43 = arith.constant 0 : index
      %get3A_44 = arith.constant 0 : index
      %get3A_45 = vector.load %arg9[%get3A_43, %get3A_44] : memref<256x1024xf32, #tpu.memory_space<vmem>>, vector<256x1024xf32>
      %get3A_46 = arith.constant 0 : index
      %get3A_47 = arith.constant 0 : index
      %get3A_48 = vector.load %arg8[%get3A_46, %get3A_47] : memref<256x1xf32, #tpu.memory_space<vmem>>, vector<256x1xf32>
      %mul3A_49 = vector.broadcast %get3A_48 : vector<256x1xf32> to vector<256x1024xf32>
      %mul3A_50 = arith.mulf %dot_general3A_32, %mul3A_49 : vector<256x1024xf32>
      %add3A = arith.addf %get3A_45, %mul3A_50 : vector<256x1024xf32>
      %swap3A = arith.constant 0 : index
      %swap3A_51 = arith.constant 0 : index
      %swap3A_52 = vector.load %arg9[%swap3A, %swap3A_51] : memref<256x1024xf32, #tpu.memory_space<vmem>>, vector<256x1024xf32>
      tpu.vector_store %arg9[%swap3A, %swap3A_51], %add3A {strides = array<i32>} : memref<256x1024xf32, #tpu.memory_space<vmem>>, vector<256x1024xf32>,
    } else {
    }
    return
  }
  func.func @transform_0(%arg0: i32, %arg1: i32, %arg2: memref<24xi32, #tpu.memory_space<smem>>) -> (i32, i32) {
    %c0_i32 = arith.constant 0 : i32
    %c0_i32_0 = arith.constant 0 : i32
    %c0_i32_1 = arith.constant 0 : i32
    return %c0_i32, %c0_i32_0 : i32, i32
  }
  func.func @transform_1(%arg0: i32, %arg1: i32, %arg2: memref<24xi32, #tpu.memory_space<smem>>) -> (i32, i32) {
    %c0_i32 = arith.constant 0 : i32
    %c0_i32_0 = arith.constant 0 : i32
    return %arg0, %c0_i32 : i32, i32
  }
  func.func @transform_2(%arg0: i32, %arg1: i32, %arg2: memref<24xi32, #tpu.memory_space<smem>>) -> (i32, i32, i32, i32) {
    %get3A = arith.index_cast %arg0 : i32 to index
    %get3A_0 = memref.load %arg2[%get3A] : memref<24xi32, #tpu.memory_space<smem>>
    %c1_i32 = arith.constant 1 : i32
    %c0_i32 = arith.constant 0 : i32
    %c0_i32_1 = arith.constant 0 : i32
    return %c1_i32, %get3A_0, %c0_i32, %arg1 : i32, i32, i32, i32
  }
  func.func @transform_3(%arg0: i32, %arg1: i32, %arg2: memref<24xi32, #tpu.memory_space<smem>>) -> (i32, i32, i32, i32) {
    %get3A = arith.index_cast %arg0 : i32 to index
    %get3A_0 = memref.load %arg2[%get3A] : memref<24xi32, #tpu.memory_space<smem>>
    %c1_i32 = arith.constant 1 : i32
    %c0_i32 = arith.constant 0 : i32
    %c0_i32_1 = arith.constant 0 : i32
    return %c1_i32, %get3A_0, %arg1, %c0_i32 : i32, i32, i32, i32
  }
  func.func @transform_4(%arg0: i32, %arg1: i32, %arg2: memref<24xi32, #tpu.memory_space<smem>>) -> (i32, i32, i32, i32) {
    %get3A = arith.index_cast %arg0 : i32 to index
    %get3A_0 = memref.load %arg2[%get3A] : memref<24xi32, #tpu.memory_space<smem>>
    %c1_i32 = arith.constant 1 : i32
    %c0_i32 = arith.constant 0 : i32
    %c0_i32_1 = arith.constant 0 : i32
    return %c1_i32, %get3A_0, %c0_i32, %arg1 : i32, i32, i32, i32
  }
  func.func @transform_5(%arg0: i32, %arg1: i32, %arg2: memref<24xi32, #tpu.memory_space<smem>>) -> (i32, i32) {
    %c0_i32 = arith.constant 0 : i32
    %c0_i32_0 = arith.constant 0 : i32
    return %arg0, %c0_i32 : i32, i32
  }
  func.func @transform_6(%arg0: i32, %arg1: i32, %arg2: memref<24xi32, #tpu.memory_space<smem>>) -> (i32, i32) {
    %c0_i32 = arith.constant 0 : i32
    %c0_i32_0 = arith.constant 0 : i32
    return %arg0, %c0_i32 : i32, i32
  }
}

module attributes {stable_mosaic.version = 14 : i64} {
  func.func @_ce_body(%arg0: i32, %arg1: memref<2048x1024xf32, #tpu.memory_space<vmem>>, %arg2: memref<1x1024xf32, #tpu.memory_space<vmem>>, %arg3: memref<1024x1280xf32, #tpu.memory_space<vmem>>, %arg4: memref<2048x1xi32, #tpu.memory_space<vmem>>, %arg5: memref<1x1xf32, #tpu.memory_space<smem>>, %arg6: memref<2048x1xf32, #tpu.memory_space<vmem>>, %arg7: memref<2048x1xf32, #tpu.memory_space<vmem>>, %arg8: memref<2048x1xf32, #tpu.memory_space<vmem>>) attributes {dimension_semantics = [#tpu.dimension_semantics<arbitrary>], iteration_bounds = array<i64: 25>, scalar_prefetch = 0 : i64, scratch_operands = 3 : i64, tpu.core_type = #tpu.core_type<tc>, window_params = [{pipeline_mode = #tpu.pipeline_mode<synchronous>, transform_indices = @transform_0, window_bounds = array<i64: 2048, 1024>}, {pipeline_mode = #tpu.pipeline_mode<synchronous>, transform_indices = @transform_1, window_bounds = array<i64: 1, 1024>}, {transform_indices = @transform_2, window_bounds = array<i64: 1024, 1280>}, {pipeline_mode = #tpu.pipeline_mode<synchronous>, transform_indices = @transform_3, window_bounds = array<i64: 2048, 1>}, {transform_indices = @transform_4, window_bounds = array<i64: 1, 1>}]} {
    %eq3A = arith.constant 0 : i32
    %eq3A_0 = arith.cmpi eq, %arg0, %eq3A : i32
    %convert_element_type3A = arith.extui %eq3A_0 : i1 to i32
    %cond3A = arith.constant 0 : i32
    %cond3A_1 = arith.cmpi ne, %convert_element_type3A, %cond3A : i32
    scf.if %cond3A_1 {
      %broadcast_in_dim3A_66 = arith.constant -1.000000e+30 : f32
      %broadcast_in_dim3A_67 = vector.broadcast %broadcast_in_dim3A_66 : f32 to vector<2048x1xf32>
      %swap3A_68 = arith.constant 0 : index
      %swap3A_69 = arith.constant 0 : index
      %swap3A_70 = vector.load %arg6[%swap3A_68, %swap3A_69] : memref<2048x1xf32, #tpu.memory_space<vmem>>, vector<2048x1xf32>
      tpu.vector_store %arg6[%swap3A_68, %swap3A_69], %broadcast_in_dim3A_67 {strides = array<i32>} : memref<2048x1xf32, #tpu.memory_space<vmem>>, vector<2048x1xf32>,
      %broadcast_in_dim3A_71 = arith.constant 0.000000e+00 : f32
      %broadcast_in_dim3A_72 = vector.broadcast %broadcast_in_dim3A_71 : f32 to vector<2048x1xf32>
      %swap3A_73 = arith.constant 0 : index
      %swap3A_74 = arith.constant 0 : index
      %swap3A_75 = vector.load %arg7[%swap3A_73, %swap3A_74] : memref<2048x1xf32, #tpu.memory_space<vmem>>, vector<2048x1xf32>
      tpu.vector_store %arg7[%swap3A_73, %swap3A_74], %broadcast_in_dim3A_72 {strides = array<i32>} : memref<2048x1xf32, #tpu.memory_space<vmem>>, vector<2048x1xf32>,
      %broadcast_in_dim3A_76 = arith.constant 0.000000e+00 : f32
      %broadcast_in_dim3A_77 = vector.broadcast %broadcast_in_dim3A_76 : f32 to vector<2048x1xf32>
      %swap3A_78 = arith.constant 0 : index
      %swap3A_79 = arith.constant 0 : index
      %swap3A_80 = vector.load %arg8[%swap3A_78, %swap3A_79] : memref<2048x1xf32, #tpu.memory_space<vmem>>, vector<2048x1xf32>
      tpu.vector_store %arg8[%swap3A_78, %swap3A_79], %broadcast_in_dim3A_77 {strides = array<i32>} : memref<2048x1xf32, #tpu.memory_space<vmem>>, vector<2048x1xf32>,
    } else {
    }
    %get3A = arith.constant 0 : index
    %get3A_2 = arith.constant 0 : index
    %get3A_3 = vector.load %arg1[%get3A, %get3A_2] : memref<2048x1024xf32, #tpu.memory_space<vmem>>, vector<2048x1024xf32>
    %get3A_4 = arith.constant 0 : index
    %get3A_5 = arith.constant 0 : index
    %get3A_6 = vector.load %arg2[%get3A_4, %get3A_5] : memref<1x1024xf32, #tpu.memory_space<vmem>>, vector<1x1024xf32>
    %mul3A = arith.mulf %get3A_3, %get3A_3 : vector<2048x1024xf32>
    %reduce_sum3A = arith.constant dense<0.000000e+00> : vector<2048xf32>
    %reduce_sum3A_7 = vector.multi_reduction <add>, %mul3A, %reduce_sum3A [1] : vector<2048x1024xf32> to vector<2048xf32>
    %broadcast_in_dim3A = vector.shape_cast %reduce_sum3A_7 : vector<2048xf32> to vector<2048x1xf32>
    %div3A = arith.constant 1.024000e+03 : f32
    %div3A_8 = vector.broadcast %div3A : f32 to vector<2048x1xf32>
    %div3A_9 = arith.divf %broadcast_in_dim3A, %div3A_8 : vector<2048x1xf32>
    %add3A = arith.constant 9.99999974E-6 : f32
    %add3A_10 = vector.broadcast %add3A : f32 to vector<2048x1xf32>
    %add3A_11 = arith.addf %div3A_9, %add3A_10 : vector<2048x1xf32>
    %rsqrt3A = math.rsqrt %add3A_11 : vector<2048x1xf32>
    %mul3A_12 = vector.broadcast %rsqrt3A : vector<2048x1xf32> to vector<2048x1024xf32>
    %mul3A_13 = arith.mulf %get3A_3, %mul3A_12 : vector<2048x1024xf32>
    %mul3A_14 = vector.broadcast %get3A_6 : vector<1x1024xf32> to vector<2048x1024xf32>
    %mul3A_15 = arith.mulf %mul3A_13, %mul3A_14 : vector<2048x1024xf32>
    %get3A_16 = arith.constant 0 : index
    %get3A_17 = arith.constant 0 : index
    %get3A_18 = vector.load %arg3[%get3A_16, %get3A_17] : memref<1024x1280xf32, #tpu.memory_space<vmem>>, vector<1024x1280xf32>
    %dot_general3A = arith.constant dense<0.000000e+00> : vector<2048x1280xf32>
    %dot_general3A_19 = tpu.matmul %mul3A_15, %get3A_18, %dot_general3A {dimension_numbers = #tpu.dot_dimension_numbers<[1], [0], [0], [1], [0, 0, 1, 1], [], []>, transpose_lhs_hint = false} : vector<2048x1024xf32>, vector<1024x1280xf32>, vector<2048x1280xf32> -> vector<2048x1280xf32>
    %reduce_max3A = arith.constant dense<0xFF800000> : vector<2048xf32>
    %reduce_max3A_20 = vector.multi_reduction <maximumf>, %dot_general3A_19, %reduce_max3A [1] : vector<2048x1280xf32> to vector<2048xf32>
    %broadcast_in_dim3A_21 = vector.shape_cast %reduce_max3A_20 : vector<2048xf32> to vector<2048x1xf32>
    %get3A_22 = arith.constant 0 : index
    %get3A_23 = arith.constant 0 : index
    %get3A_24 = vector.load %arg6[%get3A_22, %get3A_23] : memref<2048x1xf32, #tpu.memory_space<vmem>>, vector<2048x1xf32>
    %max3A = arith.maximumf %get3A_24, %broadcast_in_dim3A_21 : vector<2048x1xf32>
    %get3A_25 = arith.constant 0 : index
    %get3A_26 = arith.constant 0 : index
    %get3A_27 = vector.load %arg7[%get3A_25, %get3A_26] : memref<2048x1xf32, #tpu.memory_space<vmem>>, vector<2048x1xf32>
    %sub3A = arith.subf %get3A_24, %max3A : vector<2048x1xf32>
    %exp3A = math.exp %sub3A : vector<2048x1xf32>
    %mul3A_28 = arith.mulf %get3A_27, %exp3A : vector<2048x1xf32>
    %sub3A_29 = vector.broadcast %max3A : vector<2048x1xf32> to vector<2048x1280xf32>
    %sub3A_30 = arith.subf %dot_general3A_19, %sub3A_29 : vector<2048x1280xf32>
    %exp3A_31 = math.exp %sub3A_30 : vector<2048x1280xf32>
    %reduce_sum3A_32 = arith.constant dense<0.000000e+00> : vector<2048xf32>
    %reduce_sum3A_33 = vector.multi_reduction <add>, %exp3A_31, %reduce_sum3A_32 [1] : vector<2048x1280xf32> to vector<2048xf32>
    %broadcast_in_dim3A_34 = vector.shape_cast %reduce_sum3A_33 : vector<2048xf32> to vector<2048x1xf32>
    %add3A_35 = arith.addf %mul3A_28, %broadcast_in_dim3A_34 : vector<2048x1xf32>
    %swap3A = arith.constant 0 : index
    %swap3A_36 = arith.constant 0 : index
    %swap3A_37 = vector.load %arg7[%swap3A, %swap3A_36] : memref<2048x1xf32, #tpu.memory_space<vmem>>, vector<2048x1xf32>
    tpu.vector_store %arg7[%swap3A, %swap3A_36], %add3A_35 {strides = array<i32>} : memref<2048x1xf32, #tpu.memory_space<vmem>>, vector<2048x1xf32>,
    %swap3A_38 = arith.constant 0 : index
    %swap3A_39 = arith.constant 0 : index
    %swap3A_40 = vector.load %arg6[%swap3A_38, %swap3A_39] : memref<2048x1xf32, #tpu.memory_space<vmem>>, vector<2048x1xf32>
    tpu.vector_store %arg6[%swap3A_38, %swap3A_39], %max3A {strides = array<i32>} : memref<2048x1xf32, #tpu.memory_space<vmem>>, vector<2048x1xf32>,
    %mul3A_41 = arith.constant 1280 : i32
    %mul3A_42 = arith.muli %arg0, %mul3A_41 : i32
    %iota3A = tpu.iota {dimensions = array<i32: 1>} : vector<2048x1280xi32>
    %add3A_43 = vector.broadcast %mul3A_42 : i32 to vector<2048x1280xi32>
    %add3A_44 = arith.addi %add3A_43, %iota3A : vector<2048x1280xi32>
    %get3A_45 = arith.constant 0 : index
    %get3A_46 = arith.constant 0 : index
    %get3A_47 = vector.load %arg4[%get3A_45, %get3A_46] : memref<2048x1xi32, #tpu.memory_space<vmem>>, vector<2048x1xi32>
    %eq3A_48 = vector.broadcast %get3A_47 : vector<2048x1xi32> to vector<2048x1280xi32>
    %eq3A_49 = arith.cmpi eq, %add3A_44, %eq3A_48 : vector<2048x1280xi32>
    %get3A_50 = arith.constant 0 : index
    %get3A_51 = arith.constant 0 : index
    %get3A_52 = vector.load %arg8[%get3A_50, %get3A_51] : memref<2048x1xf32, #tpu.memory_space<vmem>>, vector<2048x1xf32>
    %jit3A = arith.constant 0.000000e+00 : f32
    %broadcast_in_dim3A_53 = vector.broadcast %jit3A : f32 to vector<2048x1280xf32>
    %select_n3A = arith.select %eq3A_49, %dot_general3A_19, %broadcast_in_dim3A_53 : vector<2048x1280xi1>, vector<2048x1280xf32>
    %reduce_sum3A_54 = arith.constant dense<0.000000e+00> : vector<2048xf32>
    %reduce_sum3A_55 = vector.multi_reduction <add>, %select_n3A, %reduce_sum3A_54 [1] : vector<2048x1280xf32> to vector<2048xf32>
    %broadcast_in_dim3A_56 = vector.shape_cast %reduce_sum3A_55 : vector<2048xf32> to vector<2048x1xf32>
    %add3A_57 = arith.addf %get3A_52, %broadcast_in_dim3A_56 : vector<2048x1xf32>
    %swap3A_58 = arith.constant 0 : index
    %swap3A_59 = arith.constant 0 : index
    %swap3A_60 = vector.load %arg8[%swap3A_58, %swap3A_59] : memref<2048x1xf32, #tpu.memory_space<vmem>>, vector<2048x1xf32>
    tpu.vector_store %arg8[%swap3A_58, %swap3A_59], %add3A_57 {strides = array<i32>} : memref<2048x1xf32, #tpu.memory_space<vmem>>, vector<2048x1xf32>,
    %eq3A_61 = arith.constant 24 : i32
    %eq3A_62 = arith.cmpi eq, %arg0, %eq3A_61 : i32
    %convert_element_type3A_63 = arith.extui %eq3A_62 : i1 to i32
    %cond3A_64 = arith.constant 0 : i32
    %cond3A_65 = arith.cmpi ne, %convert_element_type3A_63, %cond3A_64 : i32
    scf.if %cond3A_65 {
      %get3A_66 = arith.constant 0 : index
      %get3A_67 = arith.constant 0 : index
      %get3A_68 = vector.load %arg6[%get3A_66, %get3A_67] : memref<2048x1xf32, #tpu.memory_space<vmem>>, vector<2048x1xf32>
      %get3A_69 = arith.constant 0 : index
      %get3A_70 = arith.constant 0 : index
      %get3A_71 = vector.load %arg7[%get3A_69, %get3A_70] : memref<2048x1xf32, #tpu.memory_space<vmem>>, vector<2048x1xf32>
      %log3A = math.log %get3A_71 : vector<2048x1xf32>
      %add3A_72 = arith.addf %get3A_68, %log3A : vector<2048x1xf32>
      %get3A_73 = arith.constant 0 : index
      %get3A_74 = arith.constant 0 : index
      %get3A_75 = vector.load %arg8[%get3A_73, %get3A_74] : memref<2048x1xf32, #tpu.memory_space<vmem>>, vector<2048x1xf32>
      %sub3A_76 = arith.subf %add3A_72, %get3A_75 : vector<2048x1xf32>
      %reduce_sum3A_77 = vector.shape_cast %sub3A_76 : vector<2048x1xf32> to vector<1x2048x1xf32>
      %reduce_sum3A_78 = arith.constant dense<0.000000e+00> : vector<1xf32>
      %reduce_sum3A_79 = vector.multi_reduction <add>, %reduce_sum3A_77, %reduce_sum3A_78 [1, 2] : vector<1x2048x1xf32> to vector<1xf32>
      %reduce_sum3A_80 = vector.shape_cast %reduce_sum3A_79 : vector<1xf32> to vector<1x1x1xf32>
      %reduce_sum3A_81 = vector.extract %reduce_sum3A_80[0, 0, 0] : f32 from vector<1x1x1xf32>
      %div3A_82 = arith.constant 2.048000e+03 : f32
      %div3A_83 = arith.divf %reduce_sum3A_81, %div3A_82 : f32
      %swap3A_84 = arith.constant 0 : index
      %swap3A_85 = arith.constant 0 : index
      %swap3A_86 = memref.load %arg5[%swap3A_84, %swap3A_85] : memref<1x1xf32, #tpu.memory_space<smem>>
      memref.store %div3A_83, %arg5[%swap3A_84, %swap3A_85] : memref<1x1xf32, #tpu.memory_space<smem>>
    } else {
    }
    return
  }
  func.func @transform_0(%arg0: i32) -> (i32, i32) {
    %c0_i32 = arith.constant 0 : i32
    %c0_i32_0 = arith.constant 0 : i32
    %c0_i32_1 = arith.constant 0 : i32
    return %c0_i32, %c0_i32_0 : i32, i32
  }
  func.func @transform_1(%arg0: i32) -> (i32, i32) {
    %c0_i32 = arith.constant 0 : i32
    %c0_i32_0 = arith.constant 0 : i32
    %c0_i32_1 = arith.constant 0 : i32
    return %c0_i32, %c0_i32_0 : i32, i32
  }
  func.func @transform_2(%arg0: i32) -> (i32, i32) {
    %c0_i32 = arith.constant 0 : i32
    %c0_i32_0 = arith.constant 0 : i32
    return %c0_i32, %arg0 : i32, i32
  }
  func.func @transform_3(%arg0: i32) -> (i32, i32) {
    %c0_i32 = arith.constant 0 : i32
    %c0_i32_0 = arith.constant 0 : i32
    %c0_i32_1 = arith.constant 0 : i32
    return %c0_i32, %c0_i32_0 : i32, i32
  }
  func.func @transform_4(%arg0: i32) -> (i32, i32) {
    %c0_i32 = arith.constant 0 : i32
    %c0_i32_0 = arith.constant 0 : i32
    %c0_i32_1 = arith.constant 0 : i32
    return %c0_i32, %c0_i32_0 : i32, i32
  }
}

</mosaic_0001>

<sc_bundles>
// kernel: kernel.16.cloned.1.call-start
scs
__scs_entry_jumppad:
0x0: {  	(pc) =	sbr.rel $0x88, $3  }
0x1: {  	(tag) =	ssettag $0x0;
	lr =	simm.s32 $0x1  }
0x2: {  	[smem:$0x3F92] =	sst lr;
	_ =	strace $0xD0000000  }
0x3: {  	_ = 	snop  }
0x4: {  	_ = 	snop  }
0x5: {  	_ = 	snop  }
0x6: {  	_ = 	snop  }
0x7: {  	_ = 	snop  }
__scs_overlays_trampoline_lowered:
0x8: {  	[smem:$0x3FA1] =	sst s0  }
0x9: {  	[smem:$0x3FA2] =	sst s1  }
0xa: {  	[smem:$0x3FA3] =	sst s2  }
0xb: {  	[smem:$0x3FA4] =	sst s3  }
0xc: {  	[smem:$0x3FA5] =	sst s4  }
0xd: {  	[smem:$0x3FA6] =	sst s5  }
0xe: {  	[smem:$0x3FA7] =	sst s6  }
0xf: {  	[smem:$0x3FA8] =	sst s7  }
0x10: {  	[smem:$0x3FA9] =	sst s8  }
0x11: {  	[smem:$0x3FAA] =	sst s9;
	s0 =	simm.s32 @!p0 $0x0  }
0x12: {  	s1 =	sld [smem:$0x3F90];
	s0 =	simm.s32 @p0 $0x1  }
0x13: {  	[smem:$0x3FAB] =	sst s0;
	s0 =	simm.s32 @!p1 $0x0  }
0x14: {  	s2 =	sld [smem:$0x3F8F];
	s0 =	simm.s32 @p1 $0x1  }
0x15: {  	[smem:$0x3FAC] =	sst s0;
	s0 =	simm.s32 @!p2 $0x0  }
0x16: {  	s3 =	sld [smem:$0x3FDB];
	s0 =	simm.s32 @p2 $0x1  }
0x17: {  	s4 =	simm.s32 $0x1BF5;
	[smem:$0x3FAE] =	sst s0  }
0x18: {  	s0 =	sld [smem:$0x3F91];
	_ =	swait.ge [sflag:s4], $0x0  }
0x19: {  	s7 =	sld [smem:$0x3F92]  }
0x1a: {  	s8 =	sadd.s32 $0xFFFFE003, lr  }
0x1b: {  	s9 =	sadd.s32 $0xFFFFFEF7, lr;
	s5 =	simm.s32 $0xFFFFFFFF;
	p2 =	slt.u32 s8, $0xFFFFF086  }
0x1c: {  	p1 =	slt.u32 s9, $0xF7A;
	s5 =	simm.s32 @!p2 $0x0  }
0x1d: {  	s5 =	simm.s32 @p1 $0x1;
	p0 =	seq.s32 s7, s2  }
0x1e: {  	s7 =	smul.u32 @!p0 $0xF7A, s2;
	p2 =	seq.s32 @!p0 s5, $0x0  }
0x1f: {  	s9 =	smul.u32 $0xF7A, s1;
	s8 =	simm.s32 @!p0 $0x1BF5;
	p2 =	por !p2, p0  }
0x20: {  	[sflag:s8] =	ssyncset.s32 @!p0 $0xFFFFF086;
	s6 =	sadd.s32 @!p0 s3, s7;
	s7 =	simm.s32 @!p0 $0x108  }
0x21: {  	s3 =	sadd.s32 s3, s9;
	s6 =	sadd.s32 @!p0 $0x88, s6;
	s7 =	simm.s32 @p2 $0x1082  }
0x22: {  	[simem:s7], [sflag:s8] =	dma.local @!p0 [hbm:s6], $0xF7A  }
0x23: {  	s9 =	sor.u32 $0xD0000000, s2;
	s6 =	simm.s32 $0x108;
	_ =	swait.ge @!p0 [sflag:s8], $0x0  }
0x24: {  	s3 =	sadd.s32 $0x88, s3;
	s6 =	simm.s32 @!p1 $0x1082;
	[sflag:s4] =	ssyncset.s32 $0xFFFFF086  }
0x25: {  	[simem:s6], [sflag:s4] =	dma.local [hbm:s3], $0xF7A  }
0x26: {  	[smem:$0x3F92] =	sst s1;
	(tag) =	ssettag s2;
	_ =	strace s9  }
0x27: {  	s1 =	sld [smem:$0x3FA2]  }
0x28: {  	s2 =	sld [smem:$0x3FA3]  }
0x29: {  	s4 =	sld [smem:$0x3FA5]  }
0x2a: {  	p0 =	seq.s32 s5, $0x0;
	s5 =	sld [smem:$0x3FA6]  }
0x2b: {  	s6 =	sld [smem:$0x3FA7]  }
0x2c: {  	s7 =	sld [smem:$0x3FA8]  }
0x2d: {  	s3 =	simm.s32 $0x108;
	s8 =	sld [smem:$0x3FA9]  }
0x2e: {  	s3 =	simm.s32 @!p0 $0x1082;
	s9 =	sld [smem:$0x3FAA]  }
0x2f: {  	lr =	sadd.s32 s0, s3;
	s0 =	sld [smem:$0x3FA1]  }
0x30: {  	s3 =	sld [smem:$0x3FA4]  }
0x31: {  	[smem:$0x3FAD] =	sst s10  }
0x32: {  	s10 =	sld [smem:$0x3FAB];
	_ =	sdelay $0x3  }
0x33: {  	p0 =	seq.s32 s10, $0x1;
	s10 =	sld [smem:$0x3FAD];
	_ =	sdelay $0x3  }
0x34: {  	[smem:$0x3FAD] =	sst s10  }
0x35: {  	s10 =	sld [smem:$0x3FAC];
	_ =	sdelay $0x3  }
0x36: {  	p1 =	seq.s32 s10, $0x1;
	s10 =	sld [smem:$0x3FAD];
	_ =	sdelay $0x3  }
0x37: {  	[smem:$0x3FAD] =	sst s10  }
0x38: {  	s10 =	sld [smem:$0x3FAE]  }
0x39: {  	_ = 	snop;
	(pc) =	sbr.ind lr, $3  }
0x3a: {  	_ = 	snop  }
0x3b: {  	_ = 	snop  }
0x3c: {  	p2 =	seq.s32 s10, $0x1;
	s10 =	sld [smem:$0x3FAD]  }
0x3d: {  	_ =	shalt  }
0x3e: {  	_ =	shalt  }
0x3f: {  	_ =	shalt  }
0x40: {  	_ =	shalt  }
0x41: {  	_ =	shalt  }
0x42: {  	_ =	shalt  }
0x43: {  	_ =	shalt  }
0x44: {  	_ =	shalt  }
0x45: {  	_ =	shalt  }
0x46: {  	_ =	shalt  }
0x47: {  	_ =	shalt  }
0x48: {  	_ =	shalt  }
0x49: {  	_ =	shalt  }
0x4a: {  	_ =	shalt  }
0x4b: {  	_ =	shalt  }
0x4c: {  	_ =	shalt  }
0x4d: {  	_ =	shalt  }
0x4e: {  	_ =	shalt  }
0x4f: {  	_ =	shalt  }
0x50: {  	_ =	shalt  }
0x51: {  	_ =	shalt  }
0x52: {  	_ =	shalt  }
0x53: {  	_ =	shalt  }
0x54: {  	_ =	shalt  }
0x55: {  	_ =	shalt  }
0x56: {  	_ =	shalt  }
0x57: {  	_ =	shalt  }
0x58: {  	_ =	shalt  }
0x59: {  	_ =	shalt  }
0x5a: {  	_ =	shalt  }
0x5b: {  	_ =	shalt  }
0x5c: {  	_ =	shalt  }
0x5d: {  	_ =	shalt  }
0x5e: {  	_ =	shalt  }
0x5f: {  	_ =	shalt  }
0x60: {  	_ =	shalt  }
0x61: {  	_ =	shalt  }
0x62: {  	_ =	shalt  }
0x63: {  	_ =	shalt  }
0x64: {  	_ =	shalt  }
0x65: {  	_ =	shalt  }
0x66: {  	_ =	shalt  }
0x67: {  	_ =	shalt  }
0x68: {  	_ =	shalt  }
0x69: {  	_ =	shalt  }
0x6a: {  	_ =	shalt  }
0x6b: {  	_ =	shalt  }
0x6c: {  	_ =	shalt  }
0x6d: {  	_ =	shalt  }
0x6e: {  	_ =	shalt  }
0x6f: {  	_ =	shalt  }
0x70: {  	_ =	shalt  }
0x71: {  	_ =	shalt  }
0x72: {  	_ =	shalt  }
0x73: {  	_ =	shalt  }
0x74: {  	_ =	shalt  }
0x75: {  	_ =	shalt  }
0x76: {  	_ =	shalt  }
0x77: {  	_ =	shalt  }
0x78: {  	_ =	shalt  }
0x79: {  	_ =	shalt  }
0x7a: {  	_ =	shalt  }
0x7b: {  	_ =	shalt  }
0x7c: {  	_ =	shalt  }
0x7d: {  	_ =	shalt  }
0x7e: {  	_ =	shalt  }
0x7f: {  	_ =	shalt  }
0x80: {  	_ =	shalt  }
0x81: {  	_ =	shalt  }
0x82: {  	_ =	shalt  }
0x83: {  	_ =	shalt  }
0x84: {  	_ =	shalt  }
0x85: {  	_ =	shalt  }
0x86: {  	_ =	shalt  }
0x87: {  	_ =	shalt  }
.Lfunc_end0:
.L_simem_size_0:
called_computation_lowered:
.L_overlay_start_0:
0x88: {  	s2 =	sld [smem:$0x3FD9]  }
0x89: {  	s3 =	sld [smem:$0x3FFE];
	_ =	sdelay $0x1  }
0x8a: {  	s1 =	srdreg.scid  }
0x8b: {  	s0 =	sand.u32 $0x1, s1  }
0x8c: {  	s17 =	sshll.u32 s0, $0xA;
	s2 =	sadd.s32 s3, s2  }
0x8d: {  	s2 =	sadd.s32 s2, s17  }
0x8e: {  	[smem:$0x3FB9] =	sst s2  }
0x8f: {  	_ = 	snop  }
0x90: {  	s2 =	sld [smem:$0x3FC9]  }
0x91: {  	s18 =	sld [smem:$0x3FC7];
	(tm) =	ssettm $0x1  }
0x92: {  	s4 =	sld [smem:$0x3FFB];
	_ =	sdelay $0x3  }
0x93: {  	_ =	strace s4  }
0x94: {  	s4 =	sld [smem:$0x3FFC];
	_ =	sdelay $0x3  }
0x95: {  	_ =	strace s4  }
0x96: {  	s4 =	sld [smem:$0x3FFD];
	_ =	sdelay $0x3  }
0x97: {  	_ =	strace s4  }
0x98: {  	_ =	strace $0x8FFFFFFF  }
0x99: {  	s19 =	sld [smem:$0x3FDB];
	_ =	sdelay $0x1  }
0x9a: {  	s5 =	simm.s32 $_scs_section_size  }
0x9b: {  	s6 =	simm.s32 $_size__tile_overlayer_lowered;
	s7 =	simm.s32 $_tile_overlayer_lowered  }
0x9c: {  	s22 =	simm.s32 $0x1BFF;
	s21 =	sshll.u32 s7, $0x1;
	s4 =	sadd.s32 s5, s19  }
0x9d: {  	s8 =	simm.s32 $0x0;
	s20 =	sshll.u32 s6, $0x1;
	s6 =	sadd.s32 s21, s4  }
0x9e: {  	[timem:s8], [sflag:s22] =	dma.local [hbm:s6], s20  }
0x9f: {  	_ =	swait.ge [sflag:s22], s20  }
0xa0: {  	s5 =	ssub.s32 $0x0, s20;
	[sflag:s22] =	ssyncset.done $0x0  }
0xa1: {  	[sflag:s22] =	ssyncadd.s32 s5;
	_ =	sdelay $0x1  }
0xa2: {  	s23 =	simm.s32 $0x1B8B  }
0xa3: {  	_ =	swait.ge [sflag:s23], $0x1  }
0xa4: {  	[sflag:s23] =	ssyncset.done $0x0  }
0xa5: {  	s25 =	simm.s32 $0x1B8E;
	s24 =	sld [smem:$0x3FFE];
	[sflag:s23] =	ssyncadd.s32 $0xFFFFFFFF  }
0xa6: {  	s26 =	simm.s32 $execute0_lowered;
	[smem:$0x3FD2] =	sst s25  }
0xa7: {  	s6 =	sshll.u32 s26, $0x1;
	_ =	strace $0x80000046;
	[dreg:$0x1] =	wrdreg $0xFFFFFFFF  }
0xa8: {  	s28 =	simm.s32 $_size_execute0_lowered;
	s4 =	sadd.s32 s4, s6;
	[dreg:$0x0] =	wrdreg $0x0  }
0xa9: {  	s6 =	sshll.u32 s28, $0x1;
	[dreg:$0x2] =	wrdreg s4  }
0xaa: {  	[dreg:$0x3] =	wrdreg s6  }
0xab: {  	[dreg:$0x4] =	wrdreg $0xC0  }
0xac: {  	_ =	task [dreg:s8], $0x5FFFF  }
0xad: {  	[dreg:$0x1] =	wrdreg $0xFFFFFFFF  }
0xae: {  	[dreg:$0x0] =	wrdreg $0x60  }
0xaf: {  	[dreg:$0x2] =	wrdreg s18  }
0xb0: {  	[dreg:$0x3] =	wrdreg s2  }
0xb1: {  	[dreg:$0x4] =	wrdreg s24  }
0xb2: {  	[dreg:$0x5] =	wrdreg $0x9  }
0xb3: {  	_ =	task.clear_ibuf [dreg:s8], $0x6FFFF;
	_ =	strace $0x90000046  }
0xb4: {  	s29 =	simm.s32 $0x9;
	_ =	strace $0x80000048  }
0xb5: {  	_ =	swait.ge [sflag:s29], $0x1  }
0xb6: {  	[sflag:s29] =	ssyncadd.s32 $0xFFFFFFFF  }
0xb7: {  	_ =	strace $0x90000048  }
0xb8: {  	_ =	sfence  }
0xb9: {  	s30 =	sld [smem:$0x0];
	_ =	sdelay $0x2  }
0xba: {  	s31 =	sshll.u32 s1, $0xD;
	s1 =	sshrl.u32 s1, $0x2  }
0xbb: {  	s3 =	sand.u32 $0x4000, s31;
	s1 =	sadd.s32 s1, s30  }
0xbc: {  	s0 =	sor.u32 s3, s0;
	s1 =	sshll.u32 s1, $0x11  }
0xbd: {  	s0 =	sor.u32 s1, s0  }
0xbe: {  	s0 =	sadd.s32 $0x8F2B, s0  }
0xbf: {  	[sflag:s0] =	ssyncadd.remote.s32 $0x1  }
0xc0: {  	_ =	sfence.sel $0xFFFF  }
0xc1: {  	[dreg:$0x0] =	wrdreg $0xFFFFFFFF;
	(pc) =	sbr.abs _section_cstart, $3  }
0xc2: {  	[dreg:$0x1] =	wrdreg $0xFFFFFFFF  }
0xc3: {  	_ =	task.clear_ibuf [dreg:s8], $0x2FFFF;
	_ =	strace $0x9FFFFFFF  }
0xc4: {  	(tm) =	ssettm $0x7FFFFFFF  }
0xc5: {  	_ =	shalt  }
tec
execute0_lowered:
.L_overlay_start_1:
0x0: {  	(tag) =	ssettag $0x1  }
0x1: {  	s1 =	rddreg [dreg:$0x0]  }
0x2: {  	s4 =	rddreg [dreg:$0x1]  }
0x3: {  	s2 =	srdreg.scid;
	s5 =	rddreg [dreg:$0x2];
	s3 =	simm.s32 $0x0  }
0x4: {  	s0 =	stileid.u32;
	s15 =	simm.s32 $0x80;
	[smem:$0x7FF] =	sst s3  }
0x5: {  	s16 =	simm.s32 $0x900;
	_ =	strace $0x80000047;
	[dreg:$0x8] =	wrdreg s15  }
0x6: {  	s17 =	simm.s32 $0x1100;
	s18 =	simm.s32 $0x1900;
	[dreg:$0x9] =	wrdreg s16  }
0x7: {  	s20 =	simm.s32 $0x2100;
	s21 =	simm.s32 $0x2900;
	[dreg:$0xa] =	wrdreg s17  }
0x8: {  	s22 =	simm.s32 $0x3100;
	s23 =	simm.s32 $0x3900;
	[dreg:$0xb] =	wrdreg s18  }
0x9: {  	s24 =	simm.s32 $0x4100;
	s25 =	simm.s32 $0x4900;
	[dreg:$0xc] =	wrdreg s20  }
0xa: {  	s26 =	simm.s32 $0x5100;
	s11 =	simm.s32 $0x6100;
	[dreg:$0xd] =	wrdreg s21  }
0xb: {  	s28 =	simm.s32 $0xE100;
	s29 =	simm.s32 $0xE900;
	[dreg:$0xe] =	wrdreg s22  }
0xc: {  	s30 =	simm.s32 $0xF100;
	s31 =	simm.s32 $0xF900;
	[dreg:$0xf] =	wrdreg s23  }
0xd: {  	s2 =	sand.u32 $0x1, s2;
	s6 =	sshll.u32 s0, $0x7;
	[dreg:$0x10] =	wrdreg s24  }
0xe: {  	s7 =	sshll.u32 s2, $0x6;
	s2 =	ssub.s32 $0x2, s2;
	[dreg:$0x11] =	wrdreg s25  }
0xf: {  	[dreg:$0x12] =	wrdreg s26;
	s15 =	simm.s32 $0x8100;
	s16 =	simm.s32 $0x8900  }
0x10: {  	s17 =	simm.s32 $0x9100;
	s18 =	simm.s32 $0x9900;
	s20 =	simm.s32 $0xA900  }
0x11: {  	s21 =	simm.s32 $0xB100;
	s22 =	simm.s32 $0xB900;
	s23 =	simm.s32 $0xC100  }
0x12: {  	s24 =	simm.s32 $0xC900;
	s25 =	simm.s32 $0xD100;
	s6 =	sor.u32 s7, s6  }
0x13: {  	s26 =	simm.s32 $0xD900;
	s19 =	sshrl.u32 s2, $0x1;
	s7 =	sshrl.u32 s6, $0x3  }
0x14: {  	s8 =	sor.u32 $0x20, s6;
	s6 =	sshll.u32 s6, $0x7;
	s2 =	ssub.s32 s2, s19  }
0x15: {  	s19 =	simm.s32 $0xA100;
	s7 =	sadd.s32 s4, s7;
	s9 =	sshrl.u32 s8, $0x3  }
0x16: {  	s12 =	sadd.s32 s5, s6;
	s13 =	sshll.u32 s8, $0x7;
	s6 =	sadd.s32 $0x300, s1  }
0x17: {  	s8 =	simm.s32 $0x2;
	[dreg:$0x4] =	wrdreg s7;
	s4 =	sadd.s32 s4, s9  }
0x18: {  	[dreg:$0x6] =	wrdreg s12;
	s14 =	sadd.s32 s5, s13;
	s5 =	sadd.s32 $0x200, s1  }
0x19: {  	v2 =	vlaneseq.u32;
	s7 =	smax.u32 s2, $0x1;
	s9 =	simm.s32 $0x100;
	s12 =	simm.s32 $0x6900  }
0x1a: {  	vm0 =	vmmov $0xffff;
	v1 =	vshrl.u32 v2, $0x3;
	s13 =	simm.s32 $0x7100;
	s2 =	simm.s32 $0x1;
	[dreg:$0x5] =	wrdreg s4  }
0x1b: {  	v0 =	vand.u32 $0x7, v2;
	v2 =	vor.u32 $0x8, v2;
	v1 =	vmul.u32 $0x8, v1;
	[dreg:$0x7] =	wrdreg s14;
	s4 =	sadd.s32 $0x100, s1;
	s14 =	simm.s32 $0x7900  }
.LBB2_1:
0x1c: {  	s0 =	rddreg [dreg:$0x4]  }
0x1d: {  	[tilespmem:s3], [sflag:$0x2] =	stream.linear.gather [hbm4b:s0+s3], $0x20, $0x38;
	[tilespmem:$0x10100] =	vst v63  }
0x1e: {  	_ =	swait.ge [sflag:s8], $0x20  }
0x1f: {  	s0 =	rddreg [dreg:$0x5];
	[sflag:s8] =	ssyncset.done $0x0  }
0x20: {  	s10 =	rddreg [dreg:$0x8];
	[sflag:s8] =	ssyncadd.s32 $0xFFFFFFE0  }
0x21: {  	[tilespmem:s10], [sflag:$0x2] =	stream.linear.gather [hbm4b:s0+s3], $0x20, $0x38;
	[tilespmem:$0x10100] =	vst v63  }
0x22: {  	_ =	swait.ge [sflag:s8], $0x20  }
0x23: {  	[sflag:s8] =	ssyncset.done $0x0  }
0x24: {  	[sflag:s8] =	ssyncadd.s32 $0xFFFFFFE0  }
0x25: {  	v3 =	vld [tilespmem:$0x0];
	_ =	sdelay $0x4  }
0x26: {  	v4 =	vshll.u32 v3, $0x3  }
0x27: {  	v3 =	vand.u32 $0x7, v3;
	v4 =	vand.u32 $0xFFFFFFC0, v4  }
0x28: {  	v3 =	vor.u32 v3, v4  }
0x29: {  	v4 =	vperm.xlane v3, v0;
	_ =	sdelay $0x1  }
0x2a: {  	v4 =	vadd.s32 v1, v4;
	_ =	sdelay $0x4  }
0x2b: {  	[tilespmem:s9], [sflag:$0x1] =	stream.indirect_vreg.gather [hbm4b:s1+s3], $0x80, v4, vm0, $0xb8;
	[tilespmem:$0x10100] =	vst v63  }
0x2c: {  	s0 =	rddreg [dreg:$0x9];
	v3 =	vperm.xlane v3, v2  }
0x2d: {  	[tilespmem:s0], [sflag:$0x1] =	stream.indirect_vreg.gather [hbm4b:s4+s3], $0x80, v4, vm0, $0xb8;
	[tilespmem:$0x10100] =	vst v63  }
0x2e: {  	s10 =	rddreg [dreg:$0xa];
	v3 =	vadd.s32 v1, v3  }
0x2f: {  	[tilespmem:s10], [sflag:$0x1] =	stream.indirect_vreg.gather [hbm4b:s5+s3], $0x80, v4, vm0, $0xb8;
	[tilespmem:$0x10100] =	vst v63  }
0x30: {  	s0 =	rddreg [dreg:$0xb]  }
0x31: {  	[tilespmem:s0], [sflag:$0x1] =	stream.indirect_vreg.gather [hbm4b:s6+s3], $0x80, v4, vm0, $0xb8;
	[tilespmem:$0x10100] =	vst v63  }
0x32: {  	s10 =	rddreg [dreg:$0xc]  }
0x33: {  	[tilespmem:s10], [sflag:$0x1] =	stream.indirect_vreg.gather [hbm4b:s1+s3], $0x80, v3, vm0, $0xb8;
	[tilespmem:$0x10100] =	vst v63  }
0x34: {  	s0 =	rddreg [dreg:$0xd]  }
0x35: {  	[tilespmem:s0], [sflag:$0x1] =	stream.indirect_vreg.gather [hbm4b:s4+s3], $0x80, v3, vm0, $0xb8;
	[tilespmem:$0x10100] =	vst v63  }
0x36: {  	s10 =	rddreg [dreg:$0xe]  }
0x37: {  	[tilespmem:s10], [sflag:$0x1] =	stream.indirect_vreg.gather [hbm4b:s5+s3], $0x80, v3, vm0, $0xb8;
	[tilespmem:$0x10100] =	vst v63  }
0x38: {  	s0 =	rddreg [dreg:$0xf]  }
0x39: {  	[tilespmem:s0], [sflag:$0x1] =	stream.indirect_vreg.gather [hbm4b:s6+s3], $0x80, v3, vm0, $0xb8;
	[tilespmem:$0x10100] =	vst v63  }
0x3a: {  	v3 =	vld [tilespmem:$0x10];
	_ =	sdelay $0x4  }
0x3b: {  	v61 =	vshll.u32 v3, $0x3  }
0x3c: {  	v3 =	vand.u32 $0x7, v3;
	v4 =	vand.u32 $0xFFFFFFC0, v61  }
0x3d: {  	v3 =	vor.u32 v3, v4  }
0x3e: {  	v4 =	vperm.xlane v3, v0;
	_ =	sdelay $0x1  }
0x3f: {  	v4 =	vadd.s32 v1, v4;
	_ =	sdelay $0x3  }
0x40: {  	s0 =	rddreg [dreg:$0x10]  }
0x41: {  	[tilespmem:s0], [sflag:$0x1] =	stream.indirect_vreg.gather [hbm4b:s1+s3], $0x80, v4, vm0, $0xb8;
	[tilespmem:$0x10100] =	vst v63  }
0x42: {  	s10 =	rddreg [dreg:$0x11];
	v3 =	vperm.xlane v3, v2  }
0x43: {  	[tilespmem:s10], [sflag:$0x1] =	stream.indirect_vreg.gather [hbm4b:s4+s3], $0x80, v4, vm0, $0xb8;
	[tilespmem:$0x10100] =	vst v63  }
0x44: {  	v3 =	vadd.s32 v1, v3;
	s0 =	rddreg [dreg:$0x12]  }
0x45: {  	[tilespmem:s0], [sflag:$0x1] =	stream.indirect_vreg.gather [hbm4b:s5+s3], $0x80, v4, vm0, $0xb8;
	[tilespmem:$0x10100] =	vst v63  }
0x46: {  	s10 =	simm.s32 $0x5900  }
0x47: {  	[tilespmem:s10], [sflag:$0x1] =	stream.indirect_vreg.gather [hbm4b:s6+s3], $0x80, v4, vm0, $0xb8;
	[tilespmem:$0x10100] =	vst v63  }
0x48: {  	_ = 	snop  }
0x49: {  	[tilespmem:s11], [sflag:$0x1] =	stream.indirect_vreg.gather [hbm4b:s1+s3], $0x80, v3, vm0, $0xb8;
	[tilespmem:$0x10100] =	vst v63  }
0x4a: {  	_ = 	snop  }
0x4b: {  	[tilespmem:s12], [sflag:$0x1] =	stream.indirect_vreg.gather [hbm4b:s4+s3], $0x80, v3, vm0, $0xb8;
	[tilespmem:$0x10100] =	vst v63  }
0x4c: {  	_ = 	snop  }
0x4d: {  	[tilespmem:s13], [sflag:$0x1] =	stream.indirect_vreg.gather [hbm4b:s5+s3], $0x80, v3, vm0, $0xb8;
	[tilespmem:$0x10100] =	vst v63  }
0x4e: {  	_ = 	snop  }
0x4f: {  	[tilespmem:s14], [sflag:$0x1] =	stream.indirect_vreg.gather [hbm4b:s6+s3], $0x80, v3, vm0, $0xb8;
	[tilespmem:$0x10100] =	vst v63  }
0x50: {  	v3 =	vld [tilespmem:$0x80];
	_ =	sdelay $0x4  }
0x51: {  	v62 =	vshll.u32 v3, $0x3  }
0x52: {  	v3 =	vand.u32 $0x7, v3;
	v4 =	vand.u32 $0xFFFFFFC0, v62  }
0x53: {  	v3 =	vor.u32 v3, v4  }
0x54: {  	v4 =	vperm.xlane v3, v0;
	_ =	sdelay $0x1  }
0x55: {  	v4 =	vadd.s32 v1, v4;
	_ =	sdelay $0x4  }
0x56: {  	[tilespmem:s15], [sflag:$0x1] =	stream.indirect_vreg.gather [hbm4b:s1+s3], $0x80, v4, vm0, $0xb8;
	[tilespmem:$0x10100] =	vst v63  }
0x57: {  	v3 =	vperm.xlane v3, v2  }
0x58: {  	[tilespmem:s16], [sflag:$0x1] =	stream.indirect_vreg.gather [hbm4b:s4+s3], $0x80, v4, vm0, $0xb8;
	[tilespmem:$0x10100] =	vst v63  }
0x59: {  	v3 =	vadd.s32 v1, v3  }
0x5a: {  	[tilespmem:s17], [sflag:$0x1] =	stream.indirect_vreg.gather [hbm4b:s5+s3], $0x80, v4, vm0, $0xb8;
	[tilespmem:$0x10100] =	vst v63  }
0x5b: {  	_ = 	snop  }
0x5c: {  	[tilespmem:s18], [sflag:$0x1] =	stream.indirect_vreg.gather [hbm4b:s6+s3], $0x80, v4, vm0, $0xb8;
	[tilespmem:$0x10100] =	vst v63  }
0x5d: {  	_ = 	snop  }
0x5e: {  	[tilespmem:s19], [sflag:$0x1] =	stream.indirect_vreg.gather [hbm4b:s1+s3], $0x80, v3, vm0, $0xb8;
	[tilespmem:$0x10100] =	vst v63  }
0x5f: {  	_ = 	snop  }
0x60: {  	[tilespmem:s20], [sflag:$0x1] =	stream.indirect_vreg.gather [hbm4b:s4+s3], $0x80, v3, vm0, $0xb8;
	[tilespmem:$0x10100] =	vst v63  }
0x61: {  	_ = 	snop  }
0x62: {  	[tilespmem:s21], [sflag:$0x1] =	stream.indirect_vreg.gather [hbm4b:s5+s3], $0x80, v3, vm0, $0xb8;
	[tilespmem:$0x10100] =	vst v63  }
0x63: {  	_ = 	snop  }
0x64: {  	[tilespmem:s22], [sflag:$0x1] =	stream.indirect_vreg.gather [hbm4b:s6+s3], $0x80, v3, vm0, $0xb8;
	[tilespmem:$0x10100] =	vst v63  }
0x65: {  	v3 =	vld [tilespmem:$0x90];
	_ =	sdelay $0x4  }
0x66: {  	v63 =	vshll.u32 v3, $0x3  }
0x67: {  	v3 =	vand.u32 $0x7, v3;
	v4 =	vand.u32 $0xFFFFFFC0, v63  }
0x68: {  	v3 =	vor.u32 v3, v4  }
0x69: {  	v4 =	vperm.xlane v3, v0;
	_ =	sdelay $0x1  }
0x6a: {  	v4 =	vadd.s32 v1, v4;
	_ =	sdelay $0x4  }
0x6b: {  	[tilespmem:s23], [sflag:$0x1] =	stream.indirect_vreg.gather [hbm4b:s1+s3], $0x80, v4, vm0, $0xb8;
	[tilespmem:$0x10100] =	vst v63  }
0x6c: {  	v3 =	vperm.xlane v3, v2  }
0x6d: {  	[tilespmem:s24], [sflag:$0x1] =	stream.indirect_vreg.gather [hbm4b:s4+s3], $0x80, v4, vm0, $0xb8;
	[tilespmem:$0x10100] =	vst v63  }
0x6e: {  	v3 =	vadd.s32 v1, v3  }
0x6f: {  	[tilespmem:s25], [sflag:$0x1] =	stream.indirect_vreg.gather [hbm4b:s5+s3], $0x80, v4, vm0, $0xb8;
	[tilespmem:$0x10100] =	vst v63  }
0x70: {  	_ = 	snop  }
0x71: {  	[tilespmem:s26], [sflag:$0x1] =	stream.indirect_vreg.gather [hbm4b:s6+s3], $0x80, v4, vm0, $0xb8;
	[tilespmem:$0x10100] =	vst v63  }
0x72: {  	_ = 	snop  }
0x73: {  	[tilespmem:s28], [sflag:$0x1] =	stream.indirect_vreg.gather [hbm4b:s1+s3], $0x80, v3, vm0, $0xb8;
	[tilespmem:$0x10100] =	vst v63  }
0x74: {  	_ = 	snop  }
0x75: {  	[tilespmem:s29], [sflag:$0x1] =	stream.indirect_vreg.gather [hbm4b:s4+s3], $0x80, v3, vm0, $0xb8;
	[tilespmem:$0x10100] =	vst v63  }
0x76: {  	_ = 	snop  }
0x77: {  	[tilespmem:s30], [sflag:$0x1] =	stream.indirect_vreg.gather [hbm4b:s5+s3], $0x80, v3, vm0, $0xb8;
	[tilespmem:$0x10100] =	vst v63  }
0x78: {  	_ = 	snop  }
0x79: {  	[tilespmem:s31], [sflag:$0x1] =	stream.indirect_vreg.gather [hbm4b:s6+s3], $0x80, v3, vm0, $0xb8;
	[tilespmem:$0x10100] =	vst v63  }
0x7a: {  	_ =	swait.ge [sflag:s2], $0x8000  }
0x7b: {  	[sflag:s2] =	ssyncset.done $0x0  }
0x7c: {  	s10 =	rddreg [dreg:$0x6];
	[sflag:s2] =	ssyncadd.s32 $0xFFFF8000  }
0x7d: {  	[hbm4b:s10+s3] =	stream.linear.scatter [tilespmem:s9], [sflag:$0x2], $0x8000, $0x38;
	[tilespmem:$0x10100] =	vst v63  }
0x7e: {  	_ =	swait.ge [sflag:s8], $0x8000  }
0x7f: {  	[sflag:s8] =	ssyncset.done $0x0  }
0x80: {  	[sflag:s8] =	ssyncadd.s32 $0xFFFF8000  }
0x81: {  	_ =	swait.ge [sflag:s2], $0x8000  }
0x82: {  	p0 =	sne.s32 s7, $0x1;
	[sflag:s2] =	ssyncset.done $0x0  }
.Ltmp0:
0x83: {  	s10 =	rddreg [dreg:$0x7];
	[sflag:s2] =	ssyncadd.s32 $0xFFFF8000;
	(pc) =	sbr.rel @p0 .LBB2_1-.Ltmp0, $4  }
0x84: {  	[hbm4b:s10+s3] =	stream.linear.scatter [tilespmem:s15], [sflag:$0x2], $0x8000, $0x38;
	[tilespmem:$0x10100] =	vst v63  }
0x85: {  	_ =	swait.ge [sflag:s8], $0x8000  }
0x86: {  	[sflag:s8] =	ssyncset.done $0x0  }
0x87: {  	s7 =	sadd.s32 $0xFFFFFFFF, s7;
	[sflag:s8] =	ssyncadd.s32 $0xFFFF8000  }
0x88: {  	_ =	sfence.sel $0x180000  }
0x89: {  	[bflag:$0x0] =	sbarrier.arrive $0xFFFF  }
0x8a: {  	_ =	strace $0x90000047  }
0x8b: {  	s0 =	stileid.u32;
	[bflag:$0x2] =	sbarrier.arrive $0xFFFF  }
0x8c: {  	p0 =	sne.s32 s0, $0x0;
	s0 =	rddreg [dreg:$0x3]  }
0x8d: {  	s0 =	sadd.s32 @!p0 $0x100000, s0  }
0x8e: {  	[sflag:s0] =	ssyncadd.tile.s32 @!p0 $0x1;
	_ =	shalt  }
.Lfunc_end2:
_tile_overlayer_lowered:
.L_overlay_start_2:
0x8f: {  	(tag) =	ssettag $0x2  }
0x90: {  	s0 =	rddreg [dreg:$0x0];
	s2 =	stileid.u32  }
0x91: {  	s1 =	rddreg [dreg:$0x1];
	p0 =	sne.s32 s2, $0x0  }
0x92: {  	s3 =	rddreg [dreg:$0x2];
	[bflag:$0x3] =	sbarrier.arrive $0xFFFF;
	s2 =	simm.s32 @!p0 $0x1C02  }
0x93: {  	[timem:s3], [sflag:s2] =	dma.local @!p0 [hbm:s0], s1  }
0x94: {  	s0 =	simm.s32 @!p0 $0x2  }
0x95: {  	_ =	swait.ge @!p0 [sflag:s0], s1  }
0x96: {  	s1 =	ssub.s32 @!p0 $0x0, s1;
	[sflag:s0] =	ssyncset.done @!p0 $0x0  }
0x97: {  	[sflag:s0] =	ssyncadd.s32 @!p0 s1  }
0x98: {  	[bflag:$0x3] =	sbarrier.arrive $0xFFFF  }
0x99: {  	_ =	shalt  }

</sc_bundles>
